<compile_context>
chip_gen: v7x
topology: tpu7x:2x2x1
jax: 0.10.2.dev20260603
libtpu: 0.0.44.dev20260713+nightly
codegen_flags: <defaults>
</compile_context>

<pallas_src>
import functools

import jax
import jax.numpy as jnp
from jax import lax
from jax.experimental import pallas as pl
from jax.experimental.pallas import tpu as pltpu
from jax.experimental.pallas import tpu_sc as plsc

_B = 16384
_D = 32
_FF = 13
_NF = 26
_NR = _NF + 1
_NCOLS = _FF + _NF
_VOCAB = 100000

_NC = 2
_NS = 16
_NW = _NC * _NS
_BW = _B // _NW
_CB = 128
_NSUB = _BW // _CB
_CR = _CB * _NR
_IR = _CR // 128


def _precompute(features, W, b):
    BS = 2048

    def body(f_ref, w_ref, b_ref, d_ref, i_ref):
        x = f_ref[:, :_FF].astype(jnp.float32)
        d_ref[...] = (
            lax.dot_general(
                x, w_ref[...], (((1,), (1,)), ((), ())),
                preferred_element_type=jnp.float32,
            )
            + b_ref[...]
        )
        f26 = lax.broadcasted_iota(jnp.int32, (BS, _NF), 1)
        tok = f_ref[:, _FF:] + f26 * _VOCAB
        i_ref[...] = jnp.concatenate(
            [jnp.zeros((BS, 1), jnp.int32), tok], axis=1
        )

    return pl.pallas_call(
        body,
        grid=(_B // BS,),
        in_specs=[
            pl.BlockSpec((BS, _NCOLS), lambda i: (i, 0)),
            pl.BlockSpec((_D, _FF), lambda i: (0, 0)),
            pl.BlockSpec((1, _D), lambda i: (0, 0)),
        ],
        out_specs=[
            pl.BlockSpec((BS, _D), lambda i: (i, 0)),
            pl.BlockSpec((BS, _NR), lambda i: (i, 0)),
        ],
        out_shape=[
            jax.ShapeDtypeStruct((_B, _D), jnp.float32),
            jax.ShapeDtypeStruct((_B, _NR), jnp.int32),
        ],
    )(features, W, b.reshape(1, _D))


def _sc_assemble(idx_rows, dense, table, dloc):
    mesh = plsc.VectorSubcoreMesh(core_axis_name="c", subcore_axis_name="s")

    @functools.partial(
        pl.kernel,
        mesh=mesh,
        compiler_params=pltpu.CompilerParams(use_tc_tiling_on_sc=False),
        out_type=jax.ShapeDtypeStruct((_B * _NR, _D), jnp.float32),
        scratch_types=[
            pltpu.VMEM((_CR,), jnp.int32),
            pltpu.VMEM((_CR, _D), jnp.float32),
            pltpu.VMEM((_CB, _D), jnp.float32),
            pltpu.VMEM((128,), jnp.int32),
            pltpu.SemaphoreType.DMA,
            pltpu.SemaphoreType.DMA,
        ],
    )
    def k(idx_hbm, dense_hbm, table_hbm, dloc_hbm, out_hbm,
          idx_v, gbuf, dvals, dloc_v, gsem, ssem):
        wid = lax.axis_index("s") * _NC + lax.axis_index("c")
        base = wid * _BW

        for sub in range(_NSUB):
            b0 = base + sub * _CB
            pltpu.sync_copy(idx_hbm.at[pl.ds(b0 * _NR, _CR)], idx_v)
            pltpu.sync_copy(dloc_hbm.at[b0 // _CB], dloc_v)

            pltpu.async_copy(table_hbm.at[idx_v], gbuf, gsem).wait()

            pltpu.sync_copy(dense_hbm.at[pl.ds(b0, _CB)], dvals)
            pltpu.sync_copy(gbuf, out_hbm.at[pl.ds(b0 * _NR, _CR)])
            pltpu.async_copy(dvals, out_hbm.at[dloc_v], ssem).wait()

    return k(idx_rows, dense, table, dloc)


def kernel(original_features, table, W, b):
    dense, idx_ext = _precompute(original_features, W, b)
    idx_rows = idx_ext.reshape(_B * _NR)
    dloc = (jnp.arange(_B, dtype=jnp.int32) * _NR).reshape(_B // _CB, _CB)
    out2d = _sc_assemble(idx_rows, dense, table, dloc)
    return out2d.reshape(_B, _NR, _D)

# --- scband reference (transcript-rebuilt; emitter-appended) ---
"""Pipeline reference for scband-graph-embedding-layer-87531433493059 (READ-ONLY COPY).

The authoritative reference and input builder live on the scoring server;
editing this copy changes nothing except your own understanding.
"""

import jax, jax.numpy as jnp
import numpy as np

FIELD_DIMS = [100000] * 26
EMBED_DIM = 32
FLOAT_FIELDS = 13
BATCH = 16384
OFFSETS = np.array((0, *np.cumsum(FIELD_DIMS)[:-1]), dtype=np.int64)


def setup_inputs(seed: int = 0) -> dict:
    key = jax.random.key(seed)
    k1, k2, k3, k4 = jax.random.split(key, 4)
    # single int tensor: first 13 cols are 'dense' values (cast to float in forward),
    # last 26 cols are per-field token indices in [0, 100000)
    original_features = jax.random.randint(
        k1, (BATCH, FLOAT_FIELDS + len(FIELD_DIMS)), 0, 100000, dtype=jnp.int32
    )
    table = jax.random.normal(k2, (int(sum(FIELD_DIMS)), EMBED_DIM), dtype=jnp.float32) * 0.01
    W = jax.random.normal(k3, (EMBED_DIM, FLOAT_FIELDS), dtype=jnp.float32) * 0.1
    b = jax.random.normal(k4, (EMBED_DIM,), dtype=jnp.float32) * 0.01
    return {"original_features": original_features, "table": table, "W": W, "b": b}


def reference(original_features, table, W, b):
    # dense part: nn.Linear(float_field_nums, embedding_size) on first 13 columns
    dense_in = original_features[:, :FLOAT_FIELDS].astype(jnp.float32)
    dense_embeddings = (dense_in @ W.T + b)[:, None, :]  # [B, 1, D]
    # sparse part: FMEmbedding with per-field offsets on last 26 columns
    offsets = jnp.asarray(OFFSETS, dtype=jnp.int32)
    idx = original_features[:, -len(FIELD_DIMS):] + offsets[None, :]  # [B, 26]
    sparse_embeddings = jnp.take(table, idx, axis=0)  # [B, 26, D]
    embeddings = jnp.concatenate([dense_embeddings, sparse_embeddings], axis=1)  # [B, 27, D]
    return embeddings

if __name__ == "__main__":
    import jax
    _d = setup_inputs()
    print(jax.jit(kernel)(*tuple(_d.values())))

</pallas_src>

<mosaic_0001>
#map = affine_map<(d0, d1) -> (0)>
#map1 = affine_map<(d0, d1) -> (0, 0)>
module attributes {stable_mosaic.version = 14 : i64} {
  func.func @k(%arg0: i32, %arg1: i32, %arg2: memref<442368xi32, #tpu.memory_space<hbm>>, %arg3: memref<16384x32xf32, #tpu.memory_space<hbm>>, %arg4: memref<2600000x32xf32, #tpu.memory_space<hbm>>, %arg5: memref<128x128xi32, #tpu.memory_space<hbm>>, %arg6: memref<442368x32xf32, #tpu.memory_space<hbm>>, %arg7: memref<3456xi32, #tpu.memory_space<vmem>>, %arg8: memref<3456x32xf32, #tpu.memory_space<vmem>>, %arg9: memref<128x32xf32, #tpu.memory_space<vmem>>, %arg10: memref<128xi32, #tpu.memory_space<vmem>>, %arg11: memref<!tpu.dma_semaphore, #tpu.memory_space<semaphore_mem>>, %arg12: memref<!tpu.dma_semaphore, #tpu.memory_space<semaphore_mem>>) attributes {dimension_semantics = [#tpu.dimension_semantics<core_parallel>, #tpu.dimension_semantics<subcore_parallel>], iteration_bounds = array<i64: 2, 16>, scalar_prefetch = 0 : i64, scratch_operands = 6 : i64, tpu.core_type = #tpu.core_type<sc_vector_subcore>, window_params = [{transform_indices = #map}, {transform_indices = #map1}, {transform_indices = #map1}, {transform_indices = #map1}, {transform_indices = #map1}]} {
    %mul3A = arith.constant 2 : i32
    %mul3A_0 = arith.muli %arg1, %mul3A : i32
    %add3A = arith.addi %mul3A_0, %arg0 : i32
    %mul3A_1 = arith.constant 512 : i32
    %mul3A_2 = arith.muli %add3A, %mul3A_1 : i32
    %add3A_3 = arith.constant 0 : i32
    %add3A_4 = arith.addi %mul3A_2, %add3A_3 : i32
    %mul3A_5 = arith.constant 27 : i32
    %mul3A_6 = arith.muli %add3A_4, %mul3A_5 : i32
    "tpu.region"() ({
      %run_scoped3A = tpu.sem_alloc : memref<!tpu.dma_semaphore, #tpu.memory_space<semaphore_mem>>
      %dma_start3A_161 = tpu.memref_slice %arg2[%mul3A_6] : memref<442368xi32, #tpu.memory_space<hbm>> -> memref<3456xi32, #tpu.memory_space<hbm>>
      %dma_start3A_162 = tpu.memref_slice %arg2[%mul3A_6] : memref<442368xi32, #tpu.memory_space<hbm>> -> memref<3456xi32, #tpu.memory_space<hbm>>
      tpu.enqueue_dma source(%dma_start3A_162 : memref<3456xi32, #tpu.memory_space<hbm>>) target(%arg7 : memref<3456xi32, #tpu.memory_space<vmem>>) target_semaphore(%run_scoped3A : memref<!tpu.dma_semaphore, #tpu.memory_space<semaphore_mem>>)
      %dma_wait3A_163 = tpu.memref_slice %arg2[%mul3A_6] : memref<442368xi32, #tpu.memory_space<hbm>> -> memref<3456xi32, #tpu.memory_space<hbm>>
      %dma_wait3A_164 = tpu.memref_slice %arg2[%mul3A_6] : memref<442368xi32, #tpu.memory_space<hbm>> -> memref<3456xi32, #tpu.memory_space<hbm>>
      tpu.wait_dma2 semaphore(%run_scoped3A : memref<!tpu.dma_semaphore, #tpu.memory_space<semaphore_mem>>) src(%dma_wait3A_164 : memref<3456xi32, #tpu.memory_space<hbm>>) dst(%arg7 : memref<3456xi32, #tpu.memory_space<vmem>>)
      tpu.yield
    }) : () -> ()
    %jit3A = arith.constant 128 : i32
    %div3A = arith.divsi %add3A_4, %jit3A : i32
    %sign3A = arith.constant 0 : i32
    %sign3A_7 = arith.cmpi sgt, %add3A_4, %sign3A : i32
    %sign3A_8 = arith.extui %sign3A_7 : i1 to i32
    %sign3A_9 = arith.constant 0 : i32
    %sign3A_10 = arith.cmpi slt, %add3A_4, %sign3A_9 : i32
    %sign3A_11 = arith.extui %sign3A_10 : i1 to i32
    %sign3A_12 = arith.subi %sign3A_8, %sign3A_11 : i32
    %sign3A_13 = arith.constant 0 : i32
    %sign3A_14 = arith.cmpi sgt, %jit3A, %sign3A_13 : i32
    %sign3A_15 = arith.extui %sign3A_14 : i1 to i32
    %sign3A_16 = arith.constant 0 : i32
    %sign3A_17 = arith.cmpi slt, %jit3A, %sign3A_16 : i32
    %sign3A_18 = arith.extui %sign3A_17 : i1 to i32
    %sign3A_19 = arith.subi %sign3A_15, %sign3A_18 : i32
    %ne3A = arith.cmpi ne, %sign3A_12, %sign3A_19 : i32
    %rem3A = arith.remsi %add3A_4, %jit3A : i32
    %ne3A_20 = arith.constant 0 : i32
    %ne3A_21 = arith.cmpi ne, %rem3A, %ne3A_20 : i32
    %and3A = arith.andi %ne3A, %ne3A_21 : i1
    %sub3A = arith.constant 1 : i32
    %sub3A_22 = arith.subi %div3A, %sub3A : i32
    %select_n3A = arith.select %and3A, %sub3A_22, %div3A : i32
    "tpu.region"() ({
      %run_scoped3A = tpu.sem_alloc : memref<!tpu.dma_semaphore, #tpu.memory_space<semaphore_mem>>
      %dma_start3A_161 = arith.constant 0 : i32
      %dma_start3A_162 = tpu.memref_slice %arg5[%select_n3A, %dma_start3A_161] : memref<128x128xi32, #tpu.memory_space<hbm>> -> memref<1x128xi32, #tpu.memory_space<hbm>>
      %dma_start3A_163 = tpu.memref_squeeze %dma_start3A_162 : memref<1x128xi32, #tpu.memory_space<hbm>> -> memref<128xi32, #tpu.memory_space<hbm>>
      %dma_start3A_164 = arith.constant 0 : i32
      %dma_start3A_165 = tpu.memref_slice %arg5[%select_n3A, %dma_start3A_164] : memref<128x128xi32, #tpu.memory_space<hbm>> -> memref<1x128xi32, #tpu.memory_space<hbm>>
      %dma_start3A_166 = tpu.memref_squeeze %dma_start3A_165 : memref<1x128xi32, #tpu.memory_space<hbm>> -> memref<128xi32, #tpu.memory_space<hbm>>
      tpu.enqueue_dma source(%dma_start3A_166 : memref<128xi32, #tpu.memory_space<hbm>>) target(%arg10 : memref<128xi32, #tpu.memory_space<vmem>>) target_semaphore(%run_scoped3A : memref<!tpu.dma_semaphore, #tpu.memory_space<semaphore_mem>>)
      %dma_wait3A_167 = arith.constant 0 : i32
      %dma_wait3A_168 = tpu.memref_slice %arg5[%select_n3A, %dma_wait3A_167] : memref<128x128xi32, #tpu.memory_space<hbm>> -> memref<1x128xi32, #tpu.memory_space<hbm>>
      %dma_wait3A_169 = tpu.memref_squeeze %dma_wait3A_168 : memref<1x128xi32, #tpu.memory_space<hbm>> -> memref<128xi32, #tpu.memory_space<hbm>>
      %dma_wait3A_170 = arith.constant 0 : i32
      %dma_wait3A_171 = tpu.memref_slice %arg5[%select_n3A, %dma_wait3A_170] : memref<128x128xi32, #tpu.memory_space<hbm>> -> memref<1x128xi32, #tpu.memory_space<hbm>>
      %dma_wait3A_172 = tpu.memref_squeeze %dma_wait3A_171 : memref<1x128xi32, #tpu.memory_space<hbm>> -> memref<128xi32, #tpu.memory_space<hbm>>
      tpu.wait_dma2 semaphore(%run_scoped3A : memref<!tpu.dma_semaphore, #tpu.memory_space<semaphore_mem>>) src(%dma_wait3A_172 : memref<128xi32, #tpu.memory_space<hbm>>) dst(%arg10 : memref<128xi32, #tpu.memory_space<vmem>>)
      tpu.yield
    }) : () -> ()
    %dma_start3A = arith.constant 0 : i32
    %dma_start3A_23 = arith.constant 0 : i32
    %dma_start3A_24 = tpu.memref_slice %arg4[%dma_start3A, %dma_start3A_23] : memref<2600000x32xf32, #tpu.memory_space<hbm>> -> memref<2600000x32xf32, #tpu.memory_space<hbm>>
    tpu.enqueue_indirect_dma source(%dma_start3A_24 : memref<2600000x32xf32, #tpu.memory_space<hbm>>) target(%arg8 : memref<3456x32xf32, #tpu.memory_space<vmem>>) offsets(%arg7 : memref<3456xi32, #tpu.memory_space<vmem>>) semaphore(%arg11 : memref<!tpu.dma_semaphore, #tpu.memory_space<semaphore_mem>>)
    %dma_wait3A = arith.constant 0 : i32
    %dma_wait3A_25 = arith.constant 0 : i32
    %dma_wait3A_26 = tpu.memref_slice %arg4[%dma_wait3A, %dma_wait3A_25] : memref<2600000x32xf32, #tpu.memory_space<hbm>> -> memref<2600000x32xf32, #tpu.memory_space<hbm>>
    tpu.wait_indirect_dma semaphore(%arg11 : memref<!tpu.dma_semaphore, #tpu.memory_space<semaphore_mem>>) src(%dma_wait3A_26 : memref<2600000x32xf32, #tpu.memory_space<hbm>>) dst(%arg8 : memref<3456x32xf32, #tpu.memory_space<vmem>>)
    "tpu.region"() ({
      %run_scoped3A = tpu.sem_alloc : memref<!tpu.dma_semaphore, #tpu.memory_space<semaphore_mem>>
      %dma_start3A_161 = arith.constant 0 : i32
      %dma_start3A_162 = tpu.memref_slice %arg3[%add3A_4, %dma_start3A_161] : memref<16384x32xf32, #tpu.memory_space<hbm>> -> memref<128x32xf32, #tpu.memory_space<hbm>>
      %dma_start3A_163 = arith.constant 0 : i32
      %dma_start3A_164 = tpu.memref_slice %arg3[%add3A_4, %dma_start3A_163] : memref<16384x32xf32, #tpu.memory_space<hbm>> -> memref<128x32xf32, #tpu.memory_space<hbm>>
      tpu.enqueue_dma source(%dma_start3A_164 : memref<128x32xf32, #tpu.memory_space<hbm>>) target(%arg9 : memref<128x32xf32, #tpu.memory_space<vmem>>) target_semaphore(%run_scoped3A : memref<!tpu.dma_semaphore, #tpu.memory_space<semaphore_mem>>)
      %dma_wait3A_165 = arith.constant 0 : i32
      %dma_wait3A_166 = tpu.memref_slice %arg3[%add3A_4, %dma_wait3A_165] : memref<16384x32xf32, #tpu.memory_space<hbm>> -> memref<128x32xf32, #tpu.memory_space<hbm>>
      %dma_wait3A_167 = arith.constant 0 : i32
      %dma_wait3A_168 = tpu.memref_slice %arg3[%add3A_4, %dma_wait3A_167] : memref<16384x32xf32, #tpu.memory_space<hbm>> -> memref<128x32xf32, #tpu.memory_space<hbm>>
      tpu.wait_dma2 semaphore(%run_scoped3A : memref<!tpu.dma_semaphore, #tpu.memory_space<semaphore_mem>>) src(%dma_wait3A_168 : memref<128x32xf32, #tpu.memory_space<hbm>>) dst(%arg9 : memref<128x32xf32, #tpu.memory_space<vmem>>)
      tpu.yield
    }) : () -> ()
    %mul3A_27 = arith.constant 27 : i32
    %mul3A_28 = arith.muli %add3A_4, %mul3A_27 : i32
    "tpu.region"() ({
      %run_scoped3A = tpu.sem_alloc : memref<!tpu.dma_semaphore, #tpu.memory_space<semaphore_mem>>
      %dma_start3A_161 = arith.constant 0 : i32
      %dma_start3A_162 = tpu.memref_slice %arg6[%mul3A_28, %dma_start3A_161] : memref<442368x32xf32, #tpu.memory_space<hbm>> -> memref<3456x32xf32, #tpu.memory_space<hbm>>
      %dma_start3A_163 = arith.constant 0 : i32
      %dma_start3A_164 = tpu.memref_slice %arg6[%mul3A_28, %dma_start3A_163] : memref<442368x32xf32, #tpu.memory_space<hbm>> -> memref<3456x32xf32, #tpu.memory_space<hbm>>
      tpu.enqueue_dma source(%arg8 : memref<3456x32xf32, #tpu.memory_space<vmem>>) target(%dma_start3A_164 : memref<3456x32xf32, #tpu.memory_space<hbm>>) target_semaphore(%run_scoped3A : memref<!tpu.dma_semaphore, #tpu.memory_space<semaphore_mem>>)
      %dma_wait3A_165 = arith.constant 0 : i32
      %dma_wait3A_166 = tpu.memref_slice %arg6[%mul3A_28, %dma_wait3A_165] : memref<442368x32xf32, #tpu.memory_space<hbm>> -> memref<3456x32xf32, #tpu.memory_space<hbm>>
      %dma_wait3A_167 = arith.constant 0 : i32
      %dma_wait3A_168 = tpu.memref_slice %arg6[%mul3A_28, %dma_wait3A_167] : memref<442368x32xf32, #tpu.memory_space<hbm>> -> memref<3456x32xf32, #tpu.memory_space<hbm>>
      tpu.wait_dma2 semaphore(%run_scoped3A : memref<!tpu.dma_semaphore, #tpu.memory_space<semaphore_mem>>) src(%arg8 : memref<3456x32xf32, #tpu.memory_space<vmem>>) dst(%dma_wait3A_168 : memref<3456x32xf32, #tpu.memory_space<hbm>>)
      tpu.yield
    }) : () -> ()
    %dma_start3A_29 = arith.constant 0 : i32
    %dma_start3A_30 = arith.constant 0 : i32
    %dma_start3A_31 = tpu.memref_slice %arg6[%dma_start3A_29, %dma_start3A_30] : memref<442368x32xf32, #tpu.memory_space<hbm>> -> memref<442368x32xf32, #tpu.memory_space<hbm>>
    tpu.enqueue_indirect_dma source(%arg9 : memref<128x32xf32, #tpu.memory_space<vmem>>) target(%dma_start3A_31 : memref<442368x32xf32, #tpu.memory_space<hbm>>) offsets(%arg10 : memref<128xi32, #tpu.memory_space<vmem>>) semaphore(%arg12 : memref<!tpu.dma_semaphore, #tpu.memory_space<semaphore_mem>>)
    %dma_wait3A_32 = arith.constant 0 : i32
    %dma_wait3A_33 = arith.constant 0 : i32
    %dma_wait3A_34 = tpu.memref_slice %arg6[%dma_wait3A_32, %dma_wait3A_33] : memref<442368x32xf32, #tpu.memory_space<hbm>> -> memref<442368x32xf32, #tpu.memory_space<hbm>>
    tpu.wait_indirect_dma semaphore(%arg12 : memref<!tpu.dma_semaphore, #tpu.memory_space<semaphore_mem>>) src(%arg9 : memref<128x32xf32, #tpu.memory_space<vmem>>) dst(%dma_wait3A_34 : memref<442368x32xf32, #tpu.memory_space<hbm>>)
    %add3A_35 = arith.constant 128 : i32
    %add3A_36 = arith.addi %mul3A_2, %add3A_35 : i32
    %mul3A_37 = arith.constant 27 : i32
    %mul3A_38 = arith.muli %add3A_36, %mul3A_37 : i32
    "tpu.region"() ({
      %run_scoped3A = tpu.sem_alloc : memref<!tpu.dma_semaphore, #tpu.memory_space<semaphore_mem>>
      %dma_start3A_161 = tpu.memref_slice %arg2[%mul3A_38] : memref<442368xi32, #tpu.memory_space<hbm>> -> memref<3456xi32, #tpu.memory_space<hbm>>
      %dma_start3A_162 = tpu.memref_slice %arg2[%mul3A_38] : memref<442368xi32, #tpu.memory_space<hbm>> -> memref<3456xi32, #tpu.memory_space<hbm>>
      tpu.enqueue_dma source(%dma_start3A_162 : memref<3456xi32, #tpu.memory_space<hbm>>) target(%arg7 : memref<3456xi32, #tpu.memory_space<vmem>>) target_semaphore(%run_scoped3A : memref<!tpu.dma_semaphore, #tpu.memory_space<semaphore_mem>>)
      %dma_wait3A_163 = tpu.memref_slice %arg2[%mul3A_38] : memref<442368xi32, #tpu.memory_space<hbm>> -> memref<3456xi32, #tpu.memory_space<hbm>>
      %dma_wait3A_164 = tpu.memref_slice %arg2[%mul3A_38] : memref<442368xi32, #tpu.memory_space<hbm>> -> memref<3456xi32, #tpu.memory_space<hbm>>
      tpu.wait_dma2 semaphore(%run_scoped3A : memref<!tpu.dma_semaphore, #tpu.memory_space<semaphore_mem>>) src(%dma_wait3A_164 : memref<3456xi32, #tpu.memory_space<hbm>>) dst(%arg7 : memref<3456xi32, #tpu.memory_space<vmem>>)
      tpu.yield
    }) : () -> ()
    %jit3A_39 = arith.constant 128 : i32
    %div3A_40 = arith.divsi %add3A_36, %jit3A_39 : i32
    %sign3A_41 = arith.constant 0 : i32
    %sign3A_42 = arith.cmpi sgt, %add3A_36, %sign3A_41 : i32
    %sign3A_43 = arith.extui %sign3A_42 : i1 to i32
    %sign3A_44 = arith.constant 0 : i32
    %sign3A_45 = arith.cmpi slt, %add3A_36, %sign3A_44 : i32
    %sign3A_46 = arith.extui %sign3A_45 : i1 to i32
    %sign3A_47 = arith.subi %sign3A_43, %sign3A_46 : i32
    %sign3A_48 = arith.constant 0 : i32
    %sign3A_49 = arith.cmpi sgt, %jit3A_39, %sign3A_48 : i32
    %sign3A_50 = arith.extui %sign3A_49 : i1 to i32
    %sign3A_51 = arith.constant 0 : i32
    %sign3A_52 = arith.cmpi slt, %jit3A_39, %sign3A_51 : i32
    %sign3A_53 = arith.extui %sign3A_52 : i1 to i32
    %sign3A_54 = arith.subi %sign3A_50, %sign3A_53 : i32
    %ne3A_55 = arith.cmpi ne, %sign3A_47, %sign3A_54 : i32
    %rem3A_56 = arith.remsi %add3A_36, %jit3A_39 : i32
    %ne3A_57 = arith.constant 0 : i32
    %ne3A_58 = arith.cmpi ne, %rem3A_56, %ne3A_57 : i32
    %and3A_59 = arith.andi %ne3A_55, %ne3A_58 : i1
    %sub3A_60 = arith.constant 1 : i32
    %sub3A_61 = arith.subi %div3A_40, %sub3A_60 : i32
    %select_n3A_62 = arith.select %and3A_59, %sub3A_61, %div3A_40 : i32
    "tpu.region"() ({
      %run_scoped3A = tpu.sem_alloc : memref<!tpu.dma_semaphore, #tpu.memory_space<semaphore_mem>>
      %dma_start3A_161 = arith.constant 0 : i32
      %dma_start3A_162 = tpu.memref_slice %arg5[%select_n3A_62, %dma_start3A_161] : memref<128x128xi32, #tpu.memory_space<hbm>> -> memref<1x128xi32, #tpu.memory_space<hbm>>
      %dma_start3A_163 = tpu.memref_squeeze %dma_start3A_162 : memref<1x128xi32, #tpu.memory_space<hbm>> -> memref<128xi32, #tpu.memory_space<hbm>>
      %dma_start3A_164 = arith.constant 0 : i32
      %dma_start3A_165 = tpu.memref_slice %arg5[%select_n3A_62, %dma_start3A_164] : memref<128x128xi32, #tpu.memory_space<hbm>> -> memref<1x128xi32, #tpu.memory_space<hbm>>
      %dma_start3A_166 = tpu.memref_squeeze %dma_start3A_165 : memref<1x128xi32, #tpu.memory_space<hbm>> -> memref<128xi32, #tpu.memory_space<hbm>>
      tpu.enqueue_dma source(%dma_start3A_166 : memref<128xi32, #tpu.memory_space<hbm>>) target(%arg10 : memref<128xi32, #tpu.memory_space<vmem>>) target_semaphore(%run_scoped3A : memref<!tpu.dma_semaphore, #tpu.memory_space<semaphore_mem>>)
      %dma_wait3A_167 = arith.constant 0 : i32
      %dma_wait3A_168 = tpu.memref_slice %arg5[%select_n3A_62, %dma_wait3A_167] : memref<128x128xi32, #tpu.memory_space<hbm>> -> memref<1x128xi32, #tpu.memory_space<hbm>>
      %dma_wait3A_169 = tpu.memref_squeeze %dma_wait3A_168 : memref<1x128xi32, #tpu.memory_space<hbm>> -> memref<128xi32, #tpu.memory_space<hbm>>
      %dma_wait3A_170 = arith.constant 0 : i32
      %dma_wait3A_171 = tpu.memref_slice %arg5[%select_n3A_62, %dma_wait3A_170] : memref<128x128xi32, #tpu.memory_space<hbm>> -> memref<1x128xi32, #tpu.memory_space<hbm>>
      %dma_wait3A_172 = tpu.memref_squeeze %dma_wait3A_171 : memref<1x128xi32, #tpu.memory_space<hbm>> -> memref<128xi32, #tpu.memory_space<hbm>>
      tpu.wait_dma2 semaphore(%run_scoped3A : memref<!tpu.dma_semaphore, #tpu.memory_space<semaphore_mem>>) src(%dma_wait3A_172 : memref<128xi32, #tpu.memory_space<hbm>>) dst(%arg10 : memref<128xi32, #tpu.memory_space<vmem>>)
      tpu.yield
    }) : () -> ()
    %dma_start3A_63 = arith.constant 0 : i32
    %dma_start3A_64 = arith.constant 0 : i32
    %dma_start3A_65 = tpu.memref_slice %arg4[%dma_start3A_63, %dma_start3A_64] : memref<2600000x32xf32, #tpu.memory_space<hbm>> -> memref<2600000x32xf32, #tpu.memory_space<hbm>>
    tpu.enqueue_indirect_dma source(%dma_start3A_65 : memref<2600000x32xf32, #tpu.memory_space<hbm>>) target(%arg8 : memref<3456x32xf32, #tpu.memory_space<vmem>>) offsets(%arg7 : memref<3456xi32, #tpu.memory_space<vmem>>) semaphore(%arg11 : memref<!tpu.dma_semaphore, #tpu.memory_space<semaphore_mem>>)
    %dma_wait3A_66 = arith.constant 0 : i32
    %dma_wait3A_67 = arith.constant 0 : i32
    %dma_wait3A_68 = tpu.memref_slice %arg4[%dma_wait3A_66, %dma_wait3A_67] : memref<2600000x32xf32, #tpu.memory_space<hbm>> -> memref<2600000x32xf32, #tpu.memory_space<hbm>>
    tpu.wait_indirect_dma semaphore(%arg11 : memref<!tpu.dma_semaphore, #tpu.memory_space<semaphore_mem>>) src(%dma_wait3A_68 : memref<2600000x32xf32, #tpu.memory_space<hbm>>) dst(%arg8 : memref<3456x32xf32, #tpu.memory_space<vmem>>)
    "tpu.region"() ({
      %run_scoped3A = tpu.sem_alloc : memref<!tpu.dma_semaphore, #tpu.memory_space<semaphore_mem>>
      %dma_start3A_161 = arith.constant 0 : i32
      %dma_start3A_162 = tpu.memref_slice %arg3[%add3A_36, %dma_start3A_161] : memref<16384x32xf32, #tpu.memory_space<hbm>> -> memref<128x32xf32, #tpu.memory_space<hbm>>
      %dma_start3A_163 = arith.constant 0 : i32
      %dma_start3A_164 = tpu.memref_slice %arg3[%add3A_36, %dma_start3A_163] : memref<16384x32xf32, #tpu.memory_space<hbm>> -> memref<128x32xf32, #tpu.memory_space<hbm>>
      tpu.enqueue_dma source(%dma_start3A_164 : memref<128x32xf32, #tpu.memory_space<hbm>>) target(%arg9 : memref<128x32xf32, #tpu.memory_space<vmem>>) target_semaphore(%run_scoped3A : memref<!tpu.dma_semaphore, #tpu.memory_space<semaphore_mem>>)
      %dma_wait3A_165 = arith.constant 0 : i32
      %dma_wait3A_166 = tpu.memref_slice %arg3[%add3A_36, %dma_wait3A_165] : memref<16384x32xf32, #tpu.memory_space<hbm>> -> memref<128x32xf32, #tpu.memory_space<hbm>>
      %dma_wait3A_167 = arith.constant 0 : i32
      %dma_wait3A_168 = tpu.memref_slice %arg3[%add3A_36, %dma_wait3A_167] : memref<16384x32xf32, #tpu.memory_space<hbm>> -> memref<128x32xf32, #tpu.memory_space<hbm>>
      tpu.wait_dma2 semaphore(%run_scoped3A : memref<!tpu.dma_semaphore, #tpu.memory_space<semaphore_mem>>) src(%dma_wait3A_168 : memref<128x32xf32, #tpu.memory_space<hbm>>) dst(%arg9 : memref<128x32xf32, #tpu.memory_space<vmem>>)
      tpu.yield
    }) : () -> ()
    %mul3A_69 = arith.constant 27 : i32
    %mul3A_70 = arith.muli %add3A_36, %mul3A_69 : i32
    "tpu.region"() ({
      %run_scoped3A = tpu.sem_alloc : memref<!tpu.dma_semaphore, #tpu.memory_space<semaphore_mem>>
      %dma_start3A_161 = arith.constant 0 : i32
      %dma_start3A_162 = tpu.memref_slice %arg6[%mul3A_70, %dma_start3A_161] : memref<442368x32xf32, #tpu.memory_space<hbm>> -> memref<3456x32xf32, #tpu.memory_space<hbm>>
      %dma_start3A_163 = arith.constant 0 : i32
      %dma_start3A_164 = tpu.memref_slice %arg6[%mul3A_70, %dma_start3A_163] : memref<442368x32xf32, #tpu.memory_space<hbm>> -> memref<3456x32xf32, #tpu.memory_space<hbm>>
      tpu.enqueue_dma source(%arg8 : memref<3456x32xf32, #tpu.memory_space<vmem>>) target(%dma_start3A_164 : memref<3456x32xf32, #tpu.memory_space<hbm>>) target_semaphore(%run_scoped3A : memref<!tpu.dma_semaphore, #tpu.memory_space<semaphore_mem>>)
      %dma_wait3A_165 = arith.constant 0 : i32
      %dma_wait3A_166 = tpu.memref_slice %arg6[%mul3A_70, %dma_wait3A_165] : memref<442368x32xf32, #tpu.memory_space<hbm>> -> memref<3456x32xf32, #tpu.memory_space<hbm>>
      %dma_wait3A_167 = arith.constant 0 : i32
      %dma_wait3A_168 = tpu.memref_slice %arg6[%mul3A_70, %dma_wait3A_167] : memref<442368x32xf32, #tpu.memory_space<hbm>> -> memref<3456x32xf32, #tpu.memory_space<hbm>>
      tpu.wait_dma2 semaphore(%run_scoped3A : memref<!tpu.dma_semaphore, #tpu.memory_space<semaphore_mem>>) src(%arg8 : memref<3456x32xf32, #tpu.memory_space<vmem>>) dst(%dma_wait3A_168 : memref<3456x32xf32, #tpu.memory_space<hbm>>)
      tpu.yield
    }) : () -> ()
    %dma_start3A_71 = arith.constant 0 : i32
    %dma_start3A_72 = arith.constant 0 : i32
    %dma_start3A_73 = tpu.memref_slice %arg6[%dma_start3A_71, %dma_start3A_72] : memref<442368x32xf32, #tpu.memory_space<hbm>> -> memref<442368x32xf32, #tpu.memory_space<hbm>>
    tpu.enqueue_indirect_dma source(%arg9 : memref<128x32xf32, #tpu.memory_space<vmem>>) target(%dma_start3A_73 : memref<442368x32xf32, #tpu.memory_space<hbm>>) offsets(%arg10 : memref<128xi32, #tpu.memory_space<vmem>>) semaphore(%arg12 : memref<!tpu.dma_semaphore, #tpu.memory_space<semaphore_mem>>)
    %dma_wait3A_74 = arith.constant 0 : i32
    %dma_wait3A_75 = arith.constant 0 : i32
    %dma_wait3A_76 = tpu.memref_slice %arg6[%dma_wait3A_74, %dma_wait3A_75] : memref<442368x32xf32, #tpu.memory_space<hbm>> -> memref<442368x32xf32, #tpu.memory_space<hbm>>
    tpu.wait_indirect_dma semaphore(%arg12 : memref<!tpu.dma_semaphore, #tpu.memory_space<semaphore_mem>>) src(%arg9 : memref<128x32xf32, #tpu.memory_space<vmem>>) dst(%dma_wait3A_76 : memref<442368x32xf32, #tpu.memory_space<hbm>>)
    %add3A_77 = arith.constant 256 : i32
    %add3A_78 = arith.addi %mul3A_2, %add3A_77 : i32
    %mul3A_79 = arith.constant 27 : i32
    %mul3A_80 = arith.muli %add3A_78, %mul3A_79 : i32
    "tpu.region"() ({
      %run_scoped3A = tpu.sem_alloc : memref<!tpu.dma_semaphore, #tpu.memory_space<semaphore_mem>>
      %dma_start3A_161 = tpu.memref_slice %arg2[%mul3A_80] : memref<442368xi32, #tpu.memory_space<hbm>> -> memref<3456xi32, #tpu.memory_space<hbm>>
      %dma_start3A_162 = tpu.memref_slice %arg2[%mul3A_80] : memref<442368xi32, #tpu.memory_space<hbm>> -> memref<3456xi32, #tpu.memory_space<hbm>>
      tpu.enqueue_dma source(%dma_start3A_162 : memref<3456xi32, #tpu.memory_space<hbm>>) target(%arg7 : memref<3456xi32, #tpu.memory_space<vmem>>) target_semaphore(%run_scoped3A : memref<!tpu.dma_semaphore, #tpu.memory_space<semaphore_mem>>)
      %dma_wait3A_163 = tpu.memref_slice %arg2[%mul3A_80] : memref<442368xi32, #tpu.memory_space<hbm>> -> memref<3456xi32, #tpu.memory_space<hbm>>
      %dma_wait3A_164 = tpu.memref_slice %arg2[%mul3A_80] : memref<442368xi32, #tpu.memory_space<hbm>> -> memref<3456xi32, #tpu.memory_space<hbm>>
      tpu.wait_dma2 semaphore(%run_scoped3A : memref<!tpu.dma_semaphore, #tpu.memory_space<semaphore_mem>>) src(%dma_wait3A_164 : memref<3456xi32, #tpu.memory_space<hbm>>) dst(%arg7 : memref<3456xi32, #tpu.memory_space<vmem>>)
      tpu.yield
    }) : () -> ()
    %jit3A_81 = arith.constant 128 : i32
    %div3A_82 = arith.divsi %add3A_78, %jit3A_81 : i32
    %sign3A_83 = arith.constant 0 : i32
    %sign3A_84 = arith.cmpi sgt, %add3A_78, %sign3A_83 : i32
    %sign3A_85 = arith.extui %sign3A_84 : i1 to i32
    %sign3A_86 = arith.constant 0 : i32
    %sign3A_87 = arith.cmpi slt, %add3A_78, %sign3A_86 : i32
    %sign3A_88 = arith.extui %sign3A_87 : i1 to i32
    %sign3A_89 = arith.subi %sign3A_85, %sign3A_88 : i32
    %sign3A_90 = arith.constant 0 : i32
    %sign3A_91 = arith.cmpi sgt, %jit3A_81, %sign3A_90 : i32
    %sign3A_92 = arith.extui %sign3A_91 : i1 to i32
    %sign3A_93 = arith.constant 0 : i32
    %sign3A_94 = arith.cmpi slt, %jit3A_81, %sign3A_93 : i32
    %sign3A_95 = arith.extui %sign3A_94 : i1 to i32
    %sign3A_96 = arith.subi %sign3A_92, %sign3A_95 : i32
    %ne3A_97 = arith.cmpi ne, %sign3A_89, %sign3A_96 : i32
    %rem3A_98 = arith.remsi %add3A_78, %jit3A_81 : i32
    %ne3A_99 = arith.constant 0 : i32
    %ne3A_100 = arith.cmpi ne, %rem3A_98, %ne3A_99 : i32
    %and3A_101 = arith.andi %ne3A_97, %ne3A_100 : i1
    %sub3A_102 = arith.constant 1 : i32
    %sub3A_103 = arith.subi %div3A_82, %sub3A_102 : i32
    %select_n3A_104 = arith.select %and3A_101, %sub3A_103, %div3A_82 : i32
    "tpu.region"() ({
      %run_scoped3A = tpu.sem_alloc : memref<!tpu.dma_semaphore, #tpu.memory_space<semaphore_mem>>
      %dma_start3A_161 = arith.constant 0 : i32
      %dma_start3A_162 = tpu.memref_slice %arg5[%select_n3A_104, %dma_start3A_161] : memref<128x128xi32, #tpu.memory_space<hbm>> -> memref<1x128xi32, #tpu.memory_space<hbm>>
      %dma_start3A_163 = tpu.memref_squeeze %dma_start3A_162 : memref<1x128xi32, #tpu.memory_space<hbm>> -> memref<128xi32, #tpu.memory_space<hbm>>
      %dma_start3A_164 = arith.constant 0 : i32
      %dma_start3A_165 = tpu.memref_slice %arg5[%select_n3A_104, %dma_start3A_164] : memref<128x128xi32, #tpu.memory_space<hbm>> -> memref<1x128xi32, #tpu.memory_space<hbm>>
      %dma_start3A_166 = tpu.memref_squeeze %dma_start3A_165 : memref<1x128xi32, #tpu.memory_space<hbm>> -> memref<128xi32, #tpu.memory_space<hbm>>
      tpu.enqueue_dma source(%dma_start3A_166 : memref<128xi32, #tpu.memory_space<hbm>>) target(%arg10 : memref<128xi32, #tpu.memory_space<vmem>>) target_semaphore(%run_scoped3A : memref<!tpu.dma_semaphore, #tpu.memory_space<semaphore_mem>>)
      %dma_wait3A_167 = arith.constant 0 : i32
      %dma_wait3A_168 = tpu.memref_slice %arg5[%select_n3A_104, %dma_wait3A_167] : memref<128x128xi32, #tpu.memory_space<hbm>> -> memref<1x128xi32, #tpu.memory_space<hbm>>
      %dma_wait3A_169 = tpu.memref_squeeze %dma_wait3A_168 : memref<1x128xi32, #tpu.memory_space<hbm>> -> memref<128xi32, #tpu.memory_space<hbm>>
      %dma_wait3A_170 = arith.constant 0 : i32
      %dma_wait3A_171 = tpu.memref_slice %arg5[%select_n3A_104, %dma_wait3A_170] : memref<128x128xi32, #tpu.memory_space<hbm>> -> memref<1x128xi32, #tpu.memory_space<hbm>>
      %dma_wait3A_172 = tpu.memref_squeeze %dma_wait3A_171 : memref<1x128xi32, #tpu.memory_space<hbm>> -> memref<128xi32, #tpu.memory_space<hbm>>
      tpu.wait_dma2 semaphore(%run_scoped3A : memref<!tpu.dma_semaphore, #tpu.memory_space<semaphore_mem>>) src(%dma_wait3A_172 : memref<128xi32, #tpu.memory_space<hbm>>) dst(%arg10 : memref<128xi32, #tpu.memory_space<vmem>>)
      tpu.yield
    }) : () -> ()
    %dma_start3A_105 = arith.constant 0 : i32
    %dma_start3A_106 = arith.constant 0 : i32
    %dma_start3A_107 = tpu.memref_slice %arg4[%dma_start3A_105, %dma_start3A_106] : memref<2600000x32xf32, #tpu.memory_space<hbm>> -> memref<2600000x32xf32, #tpu.memory_space<hbm>>
    tpu.enqueue_indirect_dma source(%dma_start3A_107 : memref<2600000x32xf32, #tpu.memory_space<hbm>>) target(%arg8 : memref<3456x32xf32, #tpu.memory_space<vmem>>) offsets(%arg7 : memref<3456xi32, #tpu.memory_space<vmem>>) semaphore(%arg11 : memref<!tpu.dma_semaphore, #tpu.memory_space<semaphore_mem>>)
    %dma_wait3A_108 = arith.constant 0 : i32
    %dma_wait3A_109 = arith.constant 0 : i32
    %dma_wait3A_110 = tpu.memref_slice %arg4[%dma_wait3A_108, %dma_wait3A_109] : memref<2600000x32xf32, #tpu.memory_space<hbm>> -> memref<2600000x32xf32, #tpu.memory_space<hbm>>
    tpu.wait_indirect_dma semaphore(%arg11 : memref<!tpu.dma_semaphore, #tpu.memory_space<semaphore_mem>>) src(%dma_wait3A_110 : memref<2600000x32xf32, #tpu.memory_space<hbm>>) dst(%arg8 : memref<3456x32xf32, #tpu.memory_space<vmem>>)
    "tpu.region"() ({
      %run_scoped3A = tpu.sem_alloc : memref<!tpu.dma_semaphore, #tpu.memory_space<semaphore_mem>>
      %dma_start3A_161 = arith.constant 0 : i32
      %dma_start3A_162 = tpu.memref_slice %arg3[%add3A_78, %dma_start3A_161] : memref<16384x32xf32, #tpu.memory_space<hbm>> -> memref<128x32xf32, #tpu.memory_space<hbm>>
      %dma_start3A_163 = arith.constant 0 : i32
      %dma_start3A_164 = tpu.memref_slice %arg3[%add3A_78, %dma_start3A_163] : memref<16384x32xf32, #tpu.memory_space<hbm>> -> memref<128x32xf32, #tpu.memory_space<hbm>>
      tpu.enqueue_dma source(%dma_start3A_164 : memref<128x32xf32, #tpu.memory_space<hbm>>) target(%arg9 : memref<128x32xf32, #tpu.memory_space<vmem>>) target_semaphore(%run_scoped3A : memref<!tpu.dma_semaphore, #tpu.memory_space<semaphore_mem>>)
      %dma_wait3A_165 = arith.constant 0 : i32
      %dma_wait3A_166 = tpu.memref_slice %arg3[%add3A_78, %dma_wait3A_165] : memref<16384x32xf32, #tpu.memory_space<hbm>> -> memref<128x32xf32, #tpu.memory_space<hbm>>
      %dma_wait3A_167 = arith.constant 0 : i32
      %dma_wait3A_168 = tpu.memref_slice %arg3[%add3A_78, %dma_wait3A_167] : memref<16384x32xf32, #tpu.memory_space<hbm>> -> memref<128x32xf32, #tpu.memory_space<hbm>>
      tpu.wait_dma2 semaphore(%run_scoped3A : memref<!tpu.dma_semaphore, #tpu.memory_space<semaphore_mem>>) src(%dma_wait3A_168 : memref<128x32xf32, #tpu.memory_space<hbm>>) dst(%arg9 : memref<128x32xf32, #tpu.memory_space<vmem>>)
      tpu.yield
    }) : () -> ()
    %mul3A_111 = arith.constant 27 : i32
    %mul3A_112 = arith.muli %add3A_78, %mul3A_111 : i32
    "tpu.region"() ({
      %run_scoped3A = tpu.sem_alloc : memref<!tpu.dma_semaphore, #tpu.memory_space<semaphore_mem>>
      %dma_start3A_161 = arith.constant 0 : i32
      %dma_start3A_162 = tpu.memref_slice %arg6[%mul3A_112, %dma_start3A_161] : memref<442368x32xf32, #tpu.memory_space<hbm>> -> memref<3456x32xf32, #tpu.memory_space<hbm>>
      %dma_start3A_163 = arith.constant 0 : i32
      %dma_start3A_164 = tpu.memref_slice %arg6[%mul3A_112, %dma_start3A_163] : memref<442368x32xf32, #tpu.memory_space<hbm>> -> memref<3456x32xf32, #tpu.memory_space<hbm>>
      tpu.enqueue_dma source(%arg8 : memref<3456x32xf32, #tpu.memory_space<vmem>>) target(%dma_start3A_164 : memref<3456x32xf32, #tpu.memory_space<hbm>>) target_semaphore(%run_scoped3A : memref<!tpu.dma_semaphore, #tpu.memory_space<semaphore_mem>>)
      %dma_wait3A_165 = arith.constant 0 : i32
      %dma_wait3A_166 = tpu.memref_slice %arg6[%mul3A_112, %dma_wait3A_165] : memref<442368x32xf32, #tpu.memory_space<hbm>> -> memref<3456x32xf32, #tpu.memory_space<hbm>>
      %dma_wait3A_167 = arith.constant 0 : i32
      %dma_wait3A_168 = tpu.memref_slice %arg6[%mul3A_112, %dma_wait3A_167] : memref<442368x32xf32, #tpu.memory_space<hbm>> -> memref<3456x32xf32, #tpu.memory_space<hbm>>
      tpu.wait_dma2 semaphore(%run_scoped3A : memref<!tpu.dma_semaphore, #tpu.memory_space<semaphore_mem>>) src(%arg8 : memref<3456x32xf32, #tpu.memory_space<vmem>>) dst(%dma_wait3A_168 : memref<3456x32xf32, #tpu.memory_space<hbm>>)
      tpu.yield
    }) : () -> ()
    %dma_start3A_113 = arith.constant 0 : i32
    %dma_start3A_114 = arith.constant 0 : i32
    %dma_start3A_115 = tpu.memref_slice %arg6[%dma_start3A_113, %dma_start3A_114] : memref<442368x32xf32, #tpu.memory_space<hbm>> -> memref<442368x32xf32, #tpu.memory_space<hbm>>
    tpu.enqueue_indirect_dma source(%arg9 : memref<128x32xf32, #tpu.memory_space<vmem>>) target(%dma_start3A_115 : memref<442368x32xf32, #tpu.memory_space<hbm>>) offsets(%arg10 : memref<128xi32, #tpu.memory_space<vmem>>) semaphore(%arg12 : memref<!tpu.dma_semaphore, #tpu.memory_space<semaphore_mem>>)
    %dma_wait3A_116 = arith.constant 0 : i32
    %dma_wait3A_117 = arith.constant 0 : i32
    %dma_wait3A_118 = tpu.memref_slice %arg6[%dma_wait3A_116, %dma_wait3A_117] : memref<442368x32xf32, #tpu.memory_space<hbm>> -> memref<442368x32xf32, #tpu.memory_space<hbm>>
    tpu.wait_indirect_dma semaphore(%arg12 : memref<!tpu.dma_semaphore, #tpu.memory_space<semaphore_mem>>) src(%arg9 : memref<128x32xf32, #tpu.memory_space<vmem>>) dst(%dma_wait3A_118 : memref<442368x32xf32, #tpu.memory_space<hbm>>)
    %add3A_119 = arith.constant 384 : i32
    %add3A_120 = arith.addi %mul3A_2, %add3A_119 : i32
    %mul3A_121 = arith.constant 27 : i32
    %mul3A_122 = arith.muli %add3A_120, %mul3A_121 : i32
    "tpu.region"() ({
      %run_scoped3A = tpu.sem_alloc : memref<!tpu.dma_semaphore, #tpu.memory_space<semaphore_mem>>
      %dma_start3A_161 = tpu.memref_slice %arg2[%mul3A_122] : memref<442368xi32, #tpu.memory_space<hbm>> -> memref<3456xi32, #tpu.memory_space<hbm>>
      %dma_start3A_162 = tpu.memref_slice %arg2[%mul3A_122] : memref<442368xi32, #tpu.memory_space<hbm>> -> memref<3456xi32, #tpu.memory_space<hbm>>
      tpu.enqueue_dma source(%dma_start3A_162 : memref<3456xi32, #tpu.memory_space<hbm>>) target(%arg7 : memref<3456xi32, #tpu.memory_space<vmem>>) target_semaphore(%run_scoped3A : memref<!tpu.dma_semaphore, #tpu.memory_space<semaphore_mem>>)
      %dma_wait3A_163 = tpu.memref_slice %arg2[%mul3A_122] : memref<442368xi32, #tpu.memory_space<hbm>> -> memref<3456xi32, #tpu.memory_space<hbm>>
      %dma_wait3A_164 = tpu.memref_slice %arg2[%mul3A_122] : memref<442368xi32, #tpu.memory_space<hbm>> -> memref<3456xi32, #tpu.memory_space<hbm>>
      tpu.wait_dma2 semaphore(%run_scoped3A : memref<!tpu.dma_semaphore, #tpu.memory_space<semaphore_mem>>) src(%dma_wait3A_164 : memref<3456xi32, #tpu.memory_space<hbm>>) dst(%arg7 : memref<3456xi32, #tpu.memory_space<vmem>>)
      tpu.yield
    }) : () -> ()
    %jit3A_123 = arith.constant 128 : i32
    %div3A_124 = arith.divsi %add3A_120, %jit3A_123 : i32
    %sign3A_125 = arith.constant 0 : i32
    %sign3A_126 = arith.cmpi sgt, %add3A_120, %sign3A_125 : i32
    %sign3A_127 = arith.extui %sign3A_126 : i1 to i32
    %sign3A_128 = arith.constant 0 : i32
    %sign3A_129 = arith.cmpi slt, %add3A_120, %sign3A_128 : i32
    %sign3A_130 = arith.extui %sign3A_129 : i1 to i32
    %sign3A_131 = arith.subi %sign3A_127, %sign3A_130 : i32
    %sign3A_132 = arith.constant 0 : i32
    %sign3A_133 = arith.cmpi sgt, %jit3A_123, %sign3A_132 : i32
    %sign3A_134 = arith.extui %sign3A_133 : i1 to i32
    %sign3A_135 = arith.constant 0 : i32
    %sign3A_136 = arith.cmpi slt, %jit3A_123, %sign3A_135 : i32
    %sign3A_137 = arith.extui %sign3A_136 : i1 to i32
    %sign3A_138 = arith.subi %sign3A_134, %sign3A_137 : i32
    %ne3A_139 = arith.cmpi ne, %sign3A_131, %sign3A_138 : i32
    %rem3A_140 = arith.remsi %add3A_120, %jit3A_123 : i32
    %ne3A_141 = arith.constant 0 : i32
    %ne3A_142 = arith.cmpi ne, %rem3A_140, %ne3A_141 : i32
    %and3A_143 = arith.andi %ne3A_139, %ne3A_142 : i1
    %sub3A_144 = arith.constant 1 : i32
    %sub3A_145 = arith.subi %div3A_124, %sub3A_144 : i32
    %select_n3A_146 = arith.select %and3A_143, %sub3A_145, %div3A_124 : i32
    "tpu.region"() ({
      %run_scoped3A = tpu.sem_alloc : memref<!tpu.dma_semaphore, #tpu.memory_space<semaphore_mem>>
      %dma_start3A_161 = arith.constant 0 : i32
      %dma_start3A_162 = tpu.memref_slice %arg5[%select_n3A_146, %dma_start3A_161] : memref<128x128xi32, #tpu.memory_space<hbm>> -> memref<1x128xi32, #tpu.memory_space<hbm>>
      %dma_start3A_163 = tpu.memref_squeeze %dma_start3A_162 : memref<1x128xi32, #tpu.memory_space<hbm>> -> memref<128xi32, #tpu.memory_space<hbm>>
      %dma_start3A_164 = arith.constant 0 : i32
      %dma_start3A_165 = tpu.memref_slice %arg5[%select_n3A_146, %dma_start3A_164] : memref<128x128xi32, #tpu.memory_space<hbm>> -> memref<1x128xi32, #tpu.memory_space<hbm>>
      %dma_start3A_166 = tpu.memref_squeeze %dma_start3A_165 : memref<1x128xi32, #tpu.memory_space<hbm>> -> memref<128xi32, #tpu.memory_space<hbm>>
      tpu.enqueue_dma source(%dma_start3A_166 : memref<128xi32, #tpu.memory_space<hbm>>) target(%arg10 : memref<128xi32, #tpu.memory_space<vmem>>) target_semaphore(%run_scoped3A : memref<!tpu.dma_semaphore, #tpu.memory_space<semaphore_mem>>)
      %dma_wait3A_167 = arith.constant 0 : i32
      %dma_wait3A_168 = tpu.memref_slice %arg5[%select_n3A_146, %dma_wait3A_167] : memref<128x128xi32, #tpu.memory_space<hbm>> -> memref<1x128xi32, #tpu.memory_space<hbm>>
      %dma_wait3A_169 = tpu.memref_squeeze %dma_wait3A_168 : memref<1x128xi32, #tpu.memory_space<hbm>> -> memref<128xi32, #tpu.memory_space<hbm>>
      %dma_wait3A_170 = arith.constant 0 : i32
      %dma_wait3A_171 = tpu.memref_slice %arg5[%select_n3A_146, %dma_wait3A_170] : memref<128x128xi32, #tpu.memory_space<hbm>> -> memref<1x128xi32, #tpu.memory_space<hbm>>
      %dma_wait3A_172 = tpu.memref_squeeze %dma_wait3A_171 : memref<1x128xi32, #tpu.memory_space<hbm>> -> memref<128xi32, #tpu.memory_space<hbm>>
      tpu.wait_dma2 semaphore(%run_scoped3A : memref<!tpu.dma_semaphore, #tpu.memory_space<semaphore_mem>>) src(%dma_wait3A_172 : memref<128xi32, #tpu.memory_space<hbm>>) dst(%arg10 : memref<128xi32, #tpu.memory_space<vmem>>)
      tpu.yield
    }) : () -> ()
    %dma_start3A_147 = arith.constant 0 : i32
    %dma_start3A_148 = arith.constant 0 : i32
    %dma_start3A_149 = tpu.memref_slice %arg4[%dma_start3A_147, %dma_start3A_148] : memref<2600000x32xf32, #tpu.memory_space<hbm>> -> memref<2600000x32xf32, #tpu.memory_space<hbm>>
    tpu.enqueue_indirect_dma source(%dma_start3A_149 : memref<2600000x32xf32, #tpu.memory_space<hbm>>) target(%arg8 : memref<3456x32xf32, #tpu.memory_space<vmem>>) offsets(%arg7 : memref<3456xi32, #tpu.memory_space<vmem>>) semaphore(%arg11 : memref<!tpu.dma_semaphore, #tpu.memory_space<semaphore_mem>>)
    %dma_wait3A_150 = arith.constant 0 : i32
    %dma_wait3A_151 = arith.constant 0 : i32
    %dma_wait3A_152 = tpu.memref_slice %arg4[%dma_wait3A_150, %dma_wait3A_151] : memref<2600000x32xf32, #tpu.memory_space<hbm>> -> memref<2600000x32xf32, #tpu.memory_space<hbm>>
    tpu.wait_indirect_dma semaphore(%arg11 : memref<!tpu.dma_semaphore, #tpu.memory_space<semaphore_mem>>) src(%dma_wait3A_152 : memref<2600000x32xf32, #tpu.memory_space<hbm>>) dst(%arg8 : memref<3456x32xf32, #tpu.memory_space<vmem>>)
    "tpu.region"() ({
      %run_scoped3A = tpu.sem_alloc : memref<!tpu.dma_semaphore, #tpu.memory_space<semaphore_mem>>
      %dma_start3A_161 = arith.constant 0 : i32
      %dma_start3A_162 = tpu.memref_slice %arg3[%add3A_120, %dma_start3A_161] : memref<16384x32xf32, #tpu.memory_space<hbm>> -> memref<128x32xf32, #tpu.memory_space<hbm>>
      %dma_start3A_163 = arith.constant 0 : i32
      %dma_start3A_164 = tpu.memref_slice %arg3[%add3A_120, %dma_start3A_163] : memref<16384x32xf32, #tpu.memory_space<hbm>> -> memref<128x32xf32, #tpu.memory_space<hbm>>
      tpu.enqueue_dma source(%dma_start3A_164 : memref<128x32xf32, #tpu.memory_space<hbm>>) target(%arg9 : memref<128x32xf32, #tpu.memory_space<vmem>>) target_semaphore(%run_scoped3A : memref<!tpu.dma_semaphore, #tpu.memory_space<semaphore_mem>>)
      %dma_wait3A_165 = arith.constant 0 : i32
      %dma_wait3A_166 = tpu.memref_slice %arg3[%add3A_120, %dma_wait3A_165] : memref<16384x32xf32, #tpu.memory_space<hbm>> -> memref<128x32xf32, #tpu.memory_space<hbm>>
      %dma_wait3A_167 = arith.constant 0 : i32
      %dma_wait3A_168 = tpu.memref_slice %arg3[%add3A_120, %dma_wait3A_167] : memref<16384x32xf32, #tpu.memory_space<hbm>> -> memref<128x32xf32, #tpu.memory_space<hbm>>
      tpu.wait_dma2 semaphore(%run_scoped3A : memref<!tpu.dma_semaphore, #tpu.memory_space<semaphore_mem>>) src(%dma_wait3A_168 : memref<128x32xf32, #tpu.memory_space<hbm>>) dst(%arg9 : memref<128x32xf32, #tpu.memory_space<vmem>>)
      tpu.yield
    }) : () -> ()
    %mul3A_153 = arith.constant 27 : i32
    %mul3A_154 = arith.muli %add3A_120, %mul3A_153 : i32
    "tpu.region"() ({
      %run_scoped3A = tpu.sem_alloc : memref<!tpu.dma_semaphore, #tpu.memory_space<semaphore_mem>>
      %dma_start3A_161 = arith.constant 0 : i32
      %dma_start3A_162 = tpu.memref_slice %arg6[%mul3A_154, %dma_start3A_161] : memref<442368x32xf32, #tpu.memory_space<hbm>> -> memref<3456x32xf32, #tpu.memory_space<hbm>>
      %dma_start3A_163 = arith.constant 0 : i32
      %dma_start3A_164 = tpu.memref_slice %arg6[%mul3A_154, %dma_start3A_163] : memref<442368x32xf32, #tpu.memory_space<hbm>> -> memref<3456x32xf32, #tpu.memory_space<hbm>>
      tpu.enqueue_dma source(%arg8 : memref<3456x32xf32, #tpu.memory_space<vmem>>) target(%dma_start3A_164 : memref<3456x32xf32, #tpu.memory_space<hbm>>) target_semaphore(%run_scoped3A : memref<!tpu.dma_semaphore, #tpu.memory_space<semaphore_mem>>)
      %dma_wait3A_165 = arith.constant 0 : i32
      %dma_wait3A_166 = tpu.memref_slice %arg6[%mul3A_154, %dma_wait3A_165] : memref<442368x32xf32, #tpu.memory_space<hbm>> -> memref<3456x32xf32, #tpu.memory_space<hbm>>
      %dma_wait3A_167 = arith.constant 0 : i32
      %dma_wait3A_168 = tpu.memref_slice %arg6[%mul3A_154, %dma_wait3A_167] : memref<442368x32xf32, #tpu.memory_space<hbm>> -> memref<3456x32xf32, #tpu.memory_space<hbm>>
      tpu.wait_dma2 semaphore(%run_scoped3A : memref<!tpu.dma_semaphore, #tpu.memory_space<semaphore_mem>>) src(%arg8 : memref<3456x32xf32, #tpu.memory_space<vmem>>) dst(%dma_wait3A_168 : memref<3456x32xf32, #tpu.memory_space<hbm>>)
      tpu.yield
    }) : () -> ()
    %dma_start3A_155 = arith.constant 0 : i32
    %dma_start3A_156 = arith.constant 0 : i32
    %dma_start3A_157 = tpu.memref_slice %arg6[%dma_start3A_155, %dma_start3A_156] : memref<442368x32xf32, #tpu.memory_space<hbm>> -> memref<442368x32xf32, #tpu.memory_space<hbm>>
    tpu.enqueue_indirect_dma source(%arg9 : memref<128x32xf32, #tpu.memory_space<vmem>>) target(%dma_start3A_157 : memref<442368x32xf32, #tpu.memory_space<hbm>>) offsets(%arg10 : memref<128xi32, #tpu.memory_space<vmem>>) semaphore(%arg12 : memref<!tpu.dma_semaphore, #tpu.memory_space<semaphore_mem>>)
    %dma_wait3A_158 = arith.constant 0 : i32
    %dma_wait3A_159 = arith.constant 0 : i32
    %dma_wait3A_160 = tpu.memref_slice %arg6[%dma_wait3A_158, %dma_wait3A_159] : memref<442368x32xf32, #tpu.memory_space<hbm>> -> memref<442368x32xf32, #tpu.memory_space<hbm>>
    tpu.wait_indirect_dma semaphore(%arg12 : memref<!tpu.dma_semaphore, #tpu.memory_space<semaphore_mem>>) src(%arg9 : memref<128x32xf32, #tpu.memory_space<vmem>>) dst(%dma_wait3A_160 : memref<442368x32xf32, #tpu.memory_space<hbm>>)
    return
  }
}

module attributes {stable_mosaic.version = 14 : i64} {
  func.func @body(%arg0: i32, %arg1: memref<2048x39xi32, #tpu.memory_space<vmem>>, %arg2: memref<32x13xf32, #tpu.memory_space<vmem>>, %arg3: memref<1x32xf32, #tpu.memory_space<vmem>>, %arg4: memref<2048x32xf32, #tpu.memory_space<vmem>>, %arg5: memref<2048x27xi32, #tpu.memory_space<vmem>>) attributes {dimension_semantics = [#tpu.dimension_semantics<arbitrary>], iteration_bounds = array<i64: 8>, scalar_prefetch = 0 : i64, scratch_operands = 0 : i64, tpu.core_type = #tpu.core_type<tc>, window_params = [{transform_indices = @transform_0, window_bounds = array<i64: 2048, 39>}, {pipeline_mode = #tpu.pipeline_mode<synchronous>, transform_indices = @transform_1, window_bounds = array<i64: 32, 13>}, {pipeline_mode = #tpu.pipeline_mode<synchronous>, transform_indices = @transform_2, window_bounds = array<i64: 1, 32>}, {transform_indices = @transform_3, window_bounds = array<i64: 2048, 32>}, {transform_indices = @transform_4, window_bounds = array<i64: 2048, 27>}]} {
    %get3A = arith.constant 0 : index
    %get3A_0 = arith.constant 0 : index
    %get3A_1 = vector.load %arg1[%get3A, %get3A_0] : memref<2048x39xi32, #tpu.memory_space<vmem>>, vector<2048x13xi32>
    %convert_element_type3A = arith.sitofp %get3A_1 : vector<2048x13xi32> to vector<2048x13xf32>
    %get3A_2 = arith.constant 0 : index
    %get3A_3 = arith.constant 0 : index
    %get3A_4 = vector.load %arg2[%get3A_2, %get3A_3] : memref<32x13xf32, #tpu.memory_space<vmem>>, vector<32x13xf32>
    %dot_general3A = arith.constant dense<0.000000e+00> : vector<2048x32xf32>
    %dot_general3A_5 = tpu.matmul %convert_element_type3A, %get3A_4, %dot_general3A {dimension_numbers = #tpu.dot_dimension_numbers<[1], [1], [0], [0], [0, 0, 1, 0], [], []>, transpose_lhs_hint = false} : vector<2048x13xf32>, vector<32x13xf32>, vector<2048x32xf32> -> vector<2048x32xf32>
    %get3A_6 = arith.constant 0 : index
    %get3A_7 = arith.constant 0 : index
    %get3A_8 = vector.load %arg3[%get3A_6, %get3A_7] : memref<1x32xf32, #tpu.memory_space<vmem>>, vector<1x32xf32>
    %add3A = vector.broadcast %get3A_8 : vector<1x32xf32> to vector<2048x32xf32>
    %add3A_9 = arith.addf %dot_general3A_5, %add3A : vector<2048x32xf32>
    %swap3A = arith.constant 0 : index
    %swap3A_10 = arith.constant 0 : index
    %swap3A_11 = vector.load %arg4[%swap3A, %swap3A_10] : memref<2048x32xf32, #tpu.memory_space<vmem>>, vector<2048x32xf32>
    tpu.vector_store %arg4[%swap3A, %swap3A_10], %add3A_9 {strides = array<i32>} : memref<2048x32xf32, #tpu.memory_space<vmem>>, vector<2048x32xf32>,
    %iota3A = tpu.iota {dimensions = array<i32: 1>} : vector<2048x26xi32>
    %get3A_12 = arith.constant 0 : index
    %get3A_13 = arith.constant 13 : index
    %get3A_14 = vector.load %arg1[%get3A_12, %get3A_13] : memref<2048x39xi32, #tpu.memory_space<vmem>>, vector<2048x26xi32>
    %mul3A = arith.constant 100000 : i32
    %mul3A_15 = vector.broadcast %mul3A : i32 to vector<2048x26xi32>
    %mul3A_16 = arith.muli %iota3A, %mul3A_15 : vector<2048x26xi32>
    %add3A_17 = arith.addi %get3A_14, %mul3A_16 : vector<2048x26xi32>
    %broadcast_in_dim3A = arith.constant 0 : i32
    %broadcast_in_dim3A_18 = vector.broadcast %broadcast_in_dim3A : i32 to vector<2048x1xi32>
    %concatenate3A = tpu.concatenate %broadcast_in_dim3A_18, %add3A_17 in 1 : vector<2048x1xi32>, vector<2048x26xi32> -> vector<2048x27xi32>
    %swap3A_19 = arith.constant 0 : index
    %swap3A_20 = arith.constant 0 : index
    %swap3A_21 = vector.load %arg5[%swap3A_19, %swap3A_20] : memref<2048x27xi32, #tpu.memory_space<vmem>>, vector<2048x27xi32>
    tpu.vector_store %arg5[%swap3A_19, %swap3A_20], %concatenate3A {strides = array<i32>} : memref<2048x27xi32, #tpu.memory_space<vmem>>, vector<2048x27xi32>,
    return
  }
  func.func @transform_0(%arg0: i32) -> (i32, i32) {
    %c0_i32 = arith.constant 0 : i32
    %c0_i32_0 = arith.constant 0 : i32
    return %arg0, %c0_i32 : i32, i32
  }
  func.func @transform_1(%arg0: i32) -> (i32, i32) {
    %c0_i32 = arith.constant 0 : i32
    %c0_i32_0 = arith.constant 0 : i32
    %c0_i32_1 = arith.constant 0 : i32
    return %c0_i32, %c0_i32_0 : i32, i32
  }
  func.func @transform_2(%arg0: i32) -> (i32, i32) {
    %c0_i32 = arith.constant 0 : i32
    %c0_i32_0 = arith.constant 0 : i32
    %c0_i32_1 = arith.constant 0 : i32
    return %c0_i32, %c0_i32_0 : i32, i32
  }
  func.func @transform_3(%arg0: i32) -> (i32, i32) {
    %c0_i32 = arith.constant 0 : i32
    %c0_i32_0 = arith.constant 0 : i32
    return %arg0, %c0_i32 : i32, i32
  }
  func.func @transform_4(%arg0: i32) -> (i32, i32) {
    %c0_i32 = arith.constant 0 : i32
    %c0_i32_0 = arith.constant 0 : i32
    return %arg0, %c0_i32 : i32, i32
  }
}

</mosaic_0001>

<sc_bundles>
// kernel: kernel.4.cloned.1.call-start
scs
__scs_entry_jumppad:
0x0: {  	(pc) =	sbr.rel $0x88, $3  }
0x1: {  	(tag) =	ssettag $0x0;
	lr =	simm.s32 $0x1  }
0x2: {  	[smem:$0x3F9D] =	sst lr;
	_ =	strace $0xD0000000  }
0x3: {  	_ = 	snop  }
0x4: {  	_ = 	snop  }
0x5: {  	_ = 	snop  }
0x6: {  	_ = 	snop  }
0x7: {  	_ = 	snop  }
__scs_overlays_trampoline_lowered:
0x8: {  	[smem:$0x3FAC] =	sst s0  }
0x9: {  	[smem:$0x3FAD] =	sst s1  }
0xa: {  	[smem:$0x3FAE] =	sst s2  }
0xb: {  	[smem:$0x3FAF] =	sst s3  }
0xc: {  	[smem:$0x3FB0] =	sst s4  }
0xd: {  	[smem:$0x3FB1] =	sst s5  }
0xe: {  	[smem:$0x3FB2] =	sst s6  }
0xf: {  	[smem:$0x3FB3] =	sst s7  }
0x10: {  	[smem:$0x3FB4] =	sst s8  }
0x11: {  	[smem:$0x3FB5] =	sst s9;
	s0 =	simm.s32 @!p0 $0x0  }
0x12: {  	s1 =	sld [smem:$0x3F9B];
	s0 =	simm.s32 @p0 $0x1  }
0x13: {  	[smem:$0x3FB6] =	sst s0;
	s0 =	simm.s32 @!p1 $0x0  }
0x14: {  	s2 =	sld [smem:$0x3F9A];
	s0 =	simm.s32 @p1 $0x1  }
0x15: {  	[smem:$0x3FB7] =	sst s0;
	s0 =	simm.s32 @!p2 $0x0  }
0x16: {  	s3 =	sld [smem:$0x3FDB];
	s0 =	simm.s32 @p2 $0x1  }
0x17: {  	s4 =	simm.s32 $0x1BF5;
	[smem:$0x3FB9] =	sst s0  }
0x18: {  	s0 =	sld [smem:$0x3F9C];
	_ =	swait.ge [sflag:s4], $0x0  }
0x19: {  	s7 =	sld [smem:$0x3F9D]  }
0x1a: {  	s8 =	sadd.s32 $0xFFFFE003, lr  }
0x1b: {  	s9 =	sadd.s32 $0xFFFFFEF7, lr;
	s5 =	simm.s32 $0xFFFFFFFF;
	p2 =	slt.u32 s8, $0xFFFFF086  }
0x1c: {  	p1 =	slt.u32 s9, $0xF7A;
	s5 =	simm.s32 @!p2 $0x0  }
0x1d: {  	s5 =	simm.s32 @p1 $0x1;
	p0 =	seq.s32 s7, s2  }
0x1e: {  	s7 =	smul.u32 @!p0 $0xF7A, s2;
	p2 =	seq.s32 @!p0 s5, $0x0  }
0x1f: {  	s9 =	smul.u32 $0xF7A, s1;
	s8 =	simm.s32 @!p0 $0x1BF5;
	p2 =	por !p2, p0  }
0x20: {  	[sflag:s8] =	ssyncset.s32 @!p0 $0xFFFFF086;
	s6 =	sadd.s32 @!p0 s3, s7;
	s7 =	simm.s32 @!p0 $0x108  }
0x21: {  	s3 =	sadd.s32 s3, s9;
	s6 =	sadd.s32 @!p0 $0x88, s6;
	s7 =	simm.s32 @p2 $0x1082  }
0x22: {  	[simem:s7], [sflag:s8] =	dma.local @!p0 [hbm:s6], $0xF7A  }
0x23: {  	s9 =	sor.u32 $0xD0000000, s2;
	s6 =	simm.s32 $0x108;
	_ =	swait.ge @!p0 [sflag:s8], $0x0  }
0x24: {  	s3 =	sadd.s32 $0x88, s3;
	s6 =	simm.s32 @!p1 $0x1082;
	[sflag:s4] =	ssyncset.s32 $0xFFFFF086  }
0x25: {  	[simem:s6], [sflag:s4] =	dma.local [hbm:s3], $0xF7A  }
0x26: {  	[smem:$0x3F9D] =	sst s1;
	(tag) =	ssettag s2;
	_ =	strace s9  }
0x27: {  	s1 =	sld [smem:$0x3FAD]  }
0x28: {  	s2 =	sld [smem:$0x3FAE]  }
0x29: {  	s4 =	sld [smem:$0x3FB0]  }
0x2a: {  	p0 =	seq.s32 s5, $0x0;
	s5 =	sld [smem:$0x3FB1]  }
0x2b: {  	s6 =	sld [smem:$0x3FB2]  }
0x2c: {  	s7 =	sld [smem:$0x3FB3]  }
0x2d: {  	s3 =	simm.s32 $0x108;
	s8 =	sld [smem:$0x3FB4]  }
0x2e: {  	s3 =	simm.s32 @!p0 $0x1082;
	s9 =	sld [smem:$0x3FB5]  }
0x2f: {  	lr =	sadd.s32 s0, s3;
	s0 =	sld [smem:$0x3FAC]  }
0x30: {  	s3 =	sld [smem:$0x3FAF]  }
0x31: {  	[smem:$0x3FB8] =	sst s10  }
0x32: {  	s10 =	sld [smem:$0x3FB6];
	_ =	sdelay $0x3  }
0x33: {  	p0 =	seq.s32 s10, $0x1;
	s10 =	sld [smem:$0x3FB8];
	_ =	sdelay $0x3  }
0x34: {  	[smem:$0x3FB8] =	sst s10  }
0x35: {  	s10 =	sld [smem:$0x3FB7];
	_ =	sdelay $0x3  }
0x36: {  	p1 =	seq.s32 s10, $0x1;
	s10 =	sld [smem:$0x3FB8];
	_ =	sdelay $0x3  }
0x37: {  	[smem:$0x3FB8] =	sst s10  }
0x38: {  	s10 =	sld [smem:$0x3FB9]  }
0x39: {  	_ = 	snop;
	(pc) =	sbr.ind lr, $3  }
0x3a: {  	_ = 	snop  }
0x3b: {  	_ = 	snop  }
0x3c: {  	p2 =	seq.s32 s10, $0x1;
	s10 =	sld [smem:$0x3FB8]  }
0x3d: {  	_ =	shalt  }
0x3e: {  	_ =	shalt  }
0x3f: {  	_ =	shalt  }
0x40: {  	_ =	shalt  }
0x41: {  	_ =	shalt  }
0x42: {  	_ =	shalt  }
0x43: {  	_ =	shalt  }
0x44: {  	_ =	shalt  }
0x45: {  	_ =	shalt  }
0x46: {  	_ =	shalt  }
0x47: {  	_ =	shalt  }
0x48: {  	_ =	shalt  }
0x49: {  	_ =	shalt  }
0x4a: {  	_ =	shalt  }
0x4b: {  	_ =	shalt  }
0x4c: {  	_ =	shalt  }
0x4d: {  	_ =	shalt  }
0x4e: {  	_ =	shalt  }
0x4f: {  	_ =	shalt  }
0x50: {  	_ =	shalt  }
0x51: {  	_ =	shalt  }
0x52: {  	_ =	shalt  }
0x53: {  	_ =	shalt  }
0x54: {  	_ =	shalt  }
0x55: {  	_ =	shalt  }
0x56: {  	_ =	shalt  }
0x57: {  	_ =	shalt  }
0x58: {  	_ =	shalt  }
0x59: {  	_ =	shalt  }
0x5a: {  	_ =	shalt  }
0x5b: {  	_ =	shalt  }
0x5c: {  	_ =	shalt  }
0x5d: {  	_ =	shalt  }
0x5e: {  	_ =	shalt  }
0x5f: {  	_ =	shalt  }
0x60: {  	_ =	shalt  }
0x61: {  	_ =	shalt  }
0x62: {  	_ =	shalt  }
0x63: {  	_ =	shalt  }
0x64: {  	_ =	shalt  }
0x65: {  	_ =	shalt  }
0x66: {  	_ =	shalt  }
0x67: {  	_ =	shalt  }
0x68: {  	_ =	shalt  }
0x69: {  	_ =	shalt  }
0x6a: {  	_ =	shalt  }
0x6b: {  	_ =	shalt  }
0x6c: {  	_ =	shalt  }
0x6d: {  	_ =	shalt  }
0x6e: {  	_ =	shalt  }
0x6f: {  	_ =	shalt  }
0x70: {  	_ =	shalt  }
0x71: {  	_ =	shalt  }
0x72: {  	_ =	shalt  }
0x73: {  	_ =	shalt  }
0x74: {  	_ =	shalt  }
0x75: {  	_ =	shalt  }
0x76: {  	_ =	shalt  }
0x77: {  	_ =	shalt  }
0x78: {  	_ =	shalt  }
0x79: {  	_ =	shalt  }
0x7a: {  	_ =	shalt  }
0x7b: {  	_ =	shalt  }
0x7c: {  	_ =	shalt  }
0x7d: {  	_ =	shalt  }
0x7e: {  	_ =	shalt  }
0x7f: {  	_ =	shalt  }
0x80: {  	_ =	shalt  }
0x81: {  	_ =	shalt  }
0x82: {  	_ =	shalt  }
0x83: {  	_ =	shalt  }
0x84: {  	_ =	shalt  }
0x85: {  	_ =	shalt  }
0x86: {  	_ =	shalt  }
0x87: {  	_ =	shalt  }
.Lfunc_end0:
.L_simem_size_0:
called_computation.1_lowered:
.L_overlay_start_0:
0x88: {  	s2 =	sld [smem:$0x3FD9]  }
0x89: {  	s3 =	sld [smem:$0x3FFE];
	_ =	sdelay $0x1  }
0x8a: {  	s1 =	srdreg.scid  }
0x8b: {  	s0 =	sand.u32 $0x1, s1  }
0x8c: {  	s17 =	sshll.u32 s0, $0xA;
	s2 =	sadd.s32 s3, s2  }
0x8d: {  	s2 =	sadd.s32 s2, s17  }
0x8e: {  	[smem:$0x3FC4] =	sst s2  }
0x8f: {  	_ = 	snop  }
0x90: {  	s2 =	sld [smem:$0x3FD0];
	(tm) =	ssettm $0x1  }
0x91: {  	s18 =	sld [smem:$0x3FFB];
	_ =	sdelay $0x3  }
0x92: {  	_ =	strace s18  }
0x93: {  	s3 =	sld [smem:$0x3FFC];
	_ =	sdelay $0x3  }
0x94: {  	_ =	strace s3  }
0x95: {  	s3 =	sld [smem:$0x3FFD];
	_ =	sdelay $0x3  }
0x96: {  	_ =	strace s3  }
0x97: {  	_ =	strace $0x8FFFFFFF  }
0x98: {  	s19 =	sld [smem:$0x3FDB];
	_ =	sdelay $0x1  }
0x99: {  	s4 =	simm.s32 $_scs_section_size  }
0x9a: {  	s5 =	simm.s32 $_size__tile_overlayer_lowered;
	s6 =	simm.s32 $_tile_overlayer_lowered  }
0x9b: {  	s22 =	simm.s32 $0x1BFF;
	s21 =	sshll.u32 s6, $0x1;
	s3 =	sadd.s32 s4, s19  }
0x9c: {  	s7 =	simm.s32 $0x0;
	s20 =	sshll.u32 s5, $0x1;
	s5 =	sadd.s32 s21, s3  }
0x9d: {  	[timem:s7], [sflag:s22] =	dma.local [hbm:s5], s20  }
0x9e: {  	_ =	swait.ge [sflag:s22], s20  }
0x9f: {  	s4 =	ssub.s32 $0x0, s20;
	[sflag:s22] =	ssyncset.done $0x0  }
0xa0: {  	[sflag:s22] =	ssyncadd.s32 s4;
	_ =	sdelay $0x1  }
0xa1: {  	s23 =	simm.s32 $0x1B8B  }
0xa2: {  	_ =	swait.ge [sflag:s23], $0x1  }
0xa3: {  	[sflag:s23] =	ssyncset.done $0x0  }
0xa4: {  	s25 =	simm.s32 $0x1B8E;
	s24 =	sld [smem:$0x3FFE];
	[sflag:s23] =	ssyncadd.s32 $0xFFFFFFFF  }
0xa5: {  	s26 =	simm.s32 $execute0_lowered;
	[smem:$0x3FD2] =	sst s25  }
0xa6: {  	s5 =	sshll.u32 s26, $0x1;
	_ =	strace $0x80000046;
	[dreg:$0x1] =	wrdreg $0xFFFFFFFF  }
0xa7: {  	s28 =	simm.s32 $_size_execute0_lowered;
	s3 =	sadd.s32 s3, s5;
	[dreg:$0x0] =	wrdreg $0x0  }
0xa8: {  	s5 =	sshll.u32 s28, $0x1;
	[dreg:$0x2] =	wrdreg s3  }
0xa9: {  	[dreg:$0x3] =	wrdreg s5  }
0xaa: {  	[dreg:$0x4] =	wrdreg $0xC0  }
0xab: {  	_ =	task [dreg:s7], $0x5FFFF  }
0xac: {  	[dreg:$0x1] =	wrdreg $0xFFFFFFFF  }
0xad: {  	[dreg:$0x0] =	wrdreg $0x60  }
0xae: {  	[dreg:$0x2] =	wrdreg s24  }
0xaf: {  	[dreg:$0x3] =	wrdreg s2  }
0xb0: {  	[dreg:$0x4] =	wrdreg $0x9  }
0xb1: {  	_ =	task.clear_ibuf [dreg:s7], $0x5FFFF;
	_ =	strace $0x90000046  }
0xb2: {  	s29 =	simm.s32 $0x9;
	_ =	strace $0x80000048  }
0xb3: {  	_ =	swait.ge [sflag:s29], $0x1  }
0xb4: {  	[sflag:s29] =	ssyncadd.s32 $0xFFFFFFFF  }
0xb5: {  	_ =	strace $0x90000048  }
0xb6: {  	_ =	sfence  }
0xb7: {  	s30 =	sld [smem:$0x0];
	_ =	sdelay $0x2  }
0xb8: {  	s31 =	sshll.u32 s1, $0xD;
	s1 =	sshrl.u32 s1, $0x2  }
0xb9: {  	s3 =	sand.u32 $0x4000, s31;
	s1 =	sadd.s32 s1, s30  }
0xba: {  	s0 =	sor.u32 s3, s0;
	s1 =	sshll.u32 s1, $0x11  }
0xbb: {  	s0 =	sor.u32 s1, s0  }
0xbc: {  	s0 =	sadd.s32 $0x8F2B, s0  }
0xbd: {  	[sflag:s0] =	ssyncadd.remote.s32 $0x1  }
0xbe: {  	_ =	sfence.sel $0xFFFF  }
0xbf: {  	[dreg:$0x0] =	wrdreg $0xFFFFFFFF;
	(pc) =	sbr.abs _section_cstart, $3  }
0xc0: {  	[dreg:$0x1] =	wrdreg $0xFFFFFFFF  }
0xc1: {  	_ =	task.clear_ibuf [dreg:s7], $0x2FFFF;
	_ =	strace $0x9FFFFFFF  }
0xc2: {  	(tm) =	ssettm $0x7FFFFFFF  }
0xc3: {  	_ =	shalt  }
tec
execute0_lowered:
.L_overlay_start_1:
0x0: {  	(tag) =	ssettag $0x1  }
0x1: {  	s1 =	srdreg.scid;
	s0 =	stileid.u32  }
0x2: {  	s28 =	sand.u32 $0x1, s1;
	s26 =	sshll.u32 s0, $0x1  }
0x3: {  	s11 =	rddreg [dreg:$0x0];
	s13 =	sor.u32 s28, s26  }
0x4: {  	s2 =	rddreg [dreg:$0x1];
	s3 =	simm.s32 $0x0;
	s4 =	smul.u32 $0x6C0, s13  }
0x5: {  	s5 =	simm.s32 $0x3;
	[smem:$0x7FF] =	sst s3;
	s24 =	sadd.s32 $0x11400, s11  }
0x6: {  	s1 =	rddreg [dreg:$0x2];
	_ =	strace $0x80000047;
	s4 =	sadd.s32 s24, s4  }
0x7: {  	[tilespmem:s3], [sflag:$0x3] =	stream.linear.gather [hbm4b:s4+s3], $0xD80, $0x38;
	[tilespmem:$0x1CE00] =	vst v63  }
0x8: {  	_ =	swait.ge [sflag:s5], $0xD80  }
0x9: {  	s25 =	sadd.s32 $0xC00, s11;
	s6 =	sshll.u32 s13, $0x6;
	[sflag:s5] =	ssyncset.done $0x0  }
0xa: {  	s7 =	simm.s32 $0x1CD80;
	s6 =	sadd.s32 s25, s6;
	[sflag:s5] =	ssyncadd.s32 $0xFFFFF280  }
0xb: {  	[tilespmem:s7], [sflag:$0x3] =	stream.linear.gather [hbm4b:s6+s3], $0x80, $0x38;
	[tilespmem:$0x1CE00] =	vst v63  }
0xc: {  	_ =	swait.ge [sflag:s5], $0x80  }
0xd: {  	s9 =	simm.s32 $0xD80;
	[sflag:s5] =	ssyncset.done $0x0  }
0xe: {  	s10 =	simm.s32 $0x1;
	s8 =	sadd.s32 $0x27CB000, s11;
	[sflag:s5] =	ssyncadd.s32 $0xFFFFFF80  }
0xf: {  	[tilespmem:s9], [sflag:$0x1] =	stream.indirect.gather [hbm4b:s8+s9], $0x20, s3, s9, $0xb8;
	[tilespmem:$0x1CE00] =	vst v63  }
0x10: {  	_ =	swait.ge [sflag:s10], $0x1B000  }
0x11: {  	s26 =	sadd.s32 $0x1400, s11;
	s30 =	sshll.u32 s13, $0xB;
	[sflag:s10] =	ssyncset.done $0x0  }
0x12: {  	s12 =	simm.s32 $0x1BD80;
	s11 =	sadd.s32 s26, s30;
	[sflag:s10] =	ssyncadd.s32 $0xFFFE5000  }
0x13: {  	[tilespmem:s12], [sflag:$0x3] =	stream.linear.gather [hbm4b:s11+s3], $0x1000, $0x38;
	[tilespmem:$0x1CE00] =	vst v63  }
0x14: {  	s14 =	smul.u32 $0xD800, s13;
	_ =	swait.ge [sflag:s5], $0x1000  }
0x15: {  	[sflag:s5] =	ssyncset.done $0x0  }
0x16: {  	s29 =	sshll.u32 s13, $0x9;
	s13 =	sadd.s32 s2, s14;
	[sflag:s5] =	ssyncadd.s32 $0xFFFFF000  }
0x17: {  	[hbm4b:s13+s3] =	stream.linear.scatter [tilespmem:s9], [sflag:$0x3], $0x1B000, $0x38;
	[tilespmem:$0x1CE00] =	vst v63  }
0x18: {  	_ =	swait.ge [sflag:s5], $0x1B000  }
0x19: {  	s15 =	simm.s32 $0x80;
	s19 =	sor.u32 $0x80, s29;
	[sflag:s5] =	ssyncset.done $0x0  }
0x1a: {  	s16 =	smul.u32 $0x1B, s19;
	s14 =	simm.s32 $0x2;
	[sflag:s5] =	ssyncadd.s32 $0xFFFE5000  }
0x1b: {  	[hbm4b:s2+s15] =	stream.indirect.scatter [tilespmem:s12], [sflag:$0x2], $0x20, s7, s15, $0xb8;
	[tilespmem:$0x1CE00] =	vst v63  }
0x1c: {  	_ =	swait.ge [sflag:s14], $0x1000  }
0x1d: {  	s16 =	sshrl.u32 s16, $0x3;
	[sflag:s14] =	ssyncset.done $0x0  }
0x1e: {  	s16 =	sadd.s32 s24, s16;
	[sflag:s14] =	ssyncadd.s32 $0xFFFFF000  }
0x1f: {  	[tilespmem:s3], [sflag:$0x3] =	stream.linear.gather [hbm4b:s16+s3], $0xD80, $0x38;
	[tilespmem:$0x1CE00] =	vst v63  }
0x20: {  	_ =	swait.ge [sflag:s5], $0xD80  }
0x21: {  	s17 =	sshrl.u32 s19, $0x3;
	[sflag:s5] =	ssyncset.done $0x0  }
0x22: {  	s17 =	sadd.s32 s25, s17;
	[sflag:s5] =	ssyncadd.s32 $0xFFFFF280  }
0x23: {  	[tilespmem:s7], [sflag:$0x3] =	stream.linear.gather [hbm4b:s17+s3], $0x80, $0x38;
	[tilespmem:$0x1CE00] =	vst v63  }
0x24: {  	_ =	swait.ge [sflag:s5], $0x80  }
0x25: {  	[sflag:s5] =	ssyncset.done $0x0  }
0x26: {  	[sflag:s5] =	ssyncadd.s32 $0xFFFFFF80  }
0x27: {  	[tilespmem:s9], [sflag:$0x1] =	stream.indirect.gather [hbm4b:s8+s9], $0x20, s3, s9, $0xb8;
	[tilespmem:$0x1CE00] =	vst v63  }
0x28: {  	_ =	swait.ge [sflag:s10], $0x1B000  }
0x29: {  	s18 =	sshll.u32 s19, $0x2;
	[sflag:s10] =	ssyncset.done $0x0  }
0x2a: {  	s18 =	sadd.s32 s26, s18;
	[sflag:s10] =	ssyncadd.s32 $0xFFFE5000  }
0x2b: {  	[tilespmem:s12], [sflag:$0x3] =	stream.linear.gather [hbm4b:s18+s3], $0x1000, $0x38;
	[tilespmem:$0x1CE00] =	vst v63  }
0x2c: {  	s19 =	smul.u32 $0x6C, s19;
	_ =	swait.ge [sflag:s5], $0x1000  }
0x2d: {  	[sflag:s5] =	ssyncset.done $0x0  }
0x2e: {  	s19 =	sadd.s32 s2, s19;
	[sflag:s5] =	ssyncadd.s32 $0xFFFFF000  }
0x2f: {  	[hbm4b:s19+s3] =	stream.linear.scatter [tilespmem:s9], [sflag:$0x3], $0x1B000, $0x38;
	[tilespmem:$0x1CE00] =	vst v63  }
0x30: {  	_ =	swait.ge [sflag:s5], $0x1B000  }
0x31: {  	s23 =	sor.u32 $0x100, s29;
	[sflag:s5] =	ssyncset.done $0x0  }
0x32: {  	s20 =	smul.u32 $0x1B, s23;
	[sflag:s5] =	ssyncadd.s32 $0xFFFE5000  }
0x33: {  	[hbm4b:s2+s15] =	stream.indirect.scatter [tilespmem:s12], [sflag:$0x2], $0x20, s7, s15, $0xb8;
	[tilespmem:$0x1CE00] =	vst v63  }
0x34: {  	_ =	swait.ge [sflag:s14], $0x1000  }
0x35: {  	s20 =	sshrl.u32 s20, $0x3;
	[sflag:s14] =	ssyncset.done $0x0  }
0x36: {  	s20 =	sadd.s32 s24, s20;
	[sflag:s14] =	ssyncadd.s32 $0xFFFFF000  }
0x37: {  	[tilespmem:s3], [sflag:$0x3] =	stream.linear.gather [hbm4b:s20+s3], $0xD80, $0x38;
	[tilespmem:$0x1CE00] =	vst v63  }
0x38: {  	_ =	swait.ge [sflag:s5], $0xD80  }
0x39: {  	s21 =	sshrl.u32 s23, $0x3;
	[sflag:s5] =	ssyncset.done $0x0  }
0x3a: {  	s21 =	sadd.s32 s25, s21;
	[sflag:s5] =	ssyncadd.s32 $0xFFFFF280  }
0x3b: {  	[tilespmem:s7], [sflag:$0x3] =	stream.linear.gather [hbm4b:s21+s3], $0x80, $0x38;
	[tilespmem:$0x1CE00] =	vst v63  }
0x3c: {  	_ =	swait.ge [sflag:s5], $0x80  }
0x3d: {  	[sflag:s5] =	ssyncset.done $0x0  }
0x3e: {  	[sflag:s5] =	ssyncadd.s32 $0xFFFFFF80  }
0x3f: {  	[tilespmem:s9], [sflag:$0x1] =	stream.indirect.gather [hbm4b:s8+s9], $0x20, s3, s9, $0xb8;
	[tilespmem:$0x1CE00] =	vst v63  }
0x40: {  	_ =	swait.ge [sflag:s10], $0x1B000  }
0x41: {  	s22 =	sshll.u32 s23, $0x2;
	[sflag:s10] =	ssyncset.done $0x0  }
0x42: {  	s22 =	sadd.s32 s26, s22;
	[sflag:s10] =	ssyncadd.s32 $0xFFFE5000  }
0x43: {  	[tilespmem:s12], [sflag:$0x3] =	stream.linear.gather [hbm4b:s22+s3], $0x1000, $0x38;
	[tilespmem:$0x1CE00] =	vst v63  }
0x44: {  	s23 =	smul.u32 $0x6C, s23;
	_ =	swait.ge [sflag:s5], $0x1000  }
0x45: {  	[sflag:s5] =	ssyncset.done $0x0  }
0x46: {  	s23 =	sadd.s32 s2, s23;
	[sflag:s5] =	ssyncadd.s32 $0xFFFFF000  }
0x47: {  	[hbm4b:s23+s3] =	stream.linear.scatter [tilespmem:s9], [sflag:$0x3], $0x1B000, $0x38;
	[tilespmem:$0x1CE00] =	vst v63  }
0x48: {  	_ =	swait.ge [sflag:s5], $0x1B000  }
0x49: {  	s29 =	sor.u32 $0x180, s29;
	[sflag:s5] =	ssyncset.done $0x0  }
0x4a: {  	s30 =	smul.u32 $0x1B, s29;
	[sflag:s5] =	ssyncadd.s32 $0xFFFE5000  }
0x4b: {  	[hbm4b:s2+s15] =	stream.indirect.scatter [tilespmem:s12], [sflag:$0x2], $0x20, s7, s15, $0xb8;
	[tilespmem:$0x1CE00] =	vst v63  }
0x4c: {  	_ =	swait.ge [sflag:s14], $0x1000  }
0x4d: {  	s30 =	sshrl.u32 s30, $0x3;
	[sflag:s14] =	ssyncset.done $0x0  }
0x4e: {  	s24 =	sadd.s32 s24, s30;
	[sflag:s14] =	ssyncadd.s32 $0xFFFFF000  }
0x4f: {  	[tilespmem:s3], [sflag:$0x3] =	stream.linear.gather [hbm4b:s24+s3], $0xD80, $0x38;
	[tilespmem:$0x1CE00] =	vst v63  }
0x50: {  	_ =	swait.ge [sflag:s5], $0xD80  }
0x51: {  	s31 =	sshrl.u32 s29, $0x3;
	[sflag:s5] =	ssyncset.done $0x0  }
0x52: {  	s25 =	sadd.s32 s25, s31;
	[sflag:s5] =	ssyncadd.s32 $0xFFFFF280  }
0x53: {  	[tilespmem:s7], [sflag:$0x3] =	stream.linear.gather [hbm4b:s25+s3], $0x80, $0x38;
	[tilespmem:$0x1CE00] =	vst v63  }
0x54: {  	_ =	swait.ge [sflag:s5], $0x80  }
0x55: {  	[sflag:s5] =	ssyncset.done $0x0  }
0x56: {  	[sflag:s5] =	ssyncadd.s32 $0xFFFFFF80  }
0x57: {  	[tilespmem:s9], [sflag:$0x1] =	stream.indirect.gather [hbm4b:s8+s9], $0x20, s3, s9, $0xb8;
	[tilespmem:$0x1CE00] =	vst v63  }
0x58: {  	_ =	swait.ge [sflag:s10], $0x1B000  }
0x59: {  	s31 =	sshll.u32 s29, $0x2;
	s29 =	smul.u32 $0x6C, s29;
	[sflag:s10] =	ssyncset.done $0x0  }
0x5a: {  	s26 =	sadd.s32 s26, s31;
	s31 =	ssub.s32 $0x2, s28;
	[sflag:s10] =	ssyncadd.s32 $0xFFFE5000  }
0x5b: {  	[tilespmem:s12], [sflag:$0x3] =	stream.linear.gather [hbm4b:s26+s3], $0x1000, $0x38;
	[tilespmem:$0x1CE00] =	vst v63  }
0x5c: {  	s28 =	sadd.s32 s2, s29;
	s29 =	sshrl.u32 s31, $0x1;
	_ =	swait.ge [sflag:s5], $0x1000  }
0x5d: {  	s29 =	ssub.s32 s31, s29;
	[sflag:s5] =	ssyncset.done $0x0  }
0x5e: {  	s29 =	smax.u32 s29, $0x1;
	[sflag:s5] =	ssyncadd.s32 $0xFFFFF000  }
0x5f: {  	[hbm4b:s28+s3] =	stream.linear.scatter [tilespmem:s9], [sflag:$0x3], $0x1B000, $0x38;
	[tilespmem:$0x1CE00] =	vst v63  }
0x60: {  	p0 =	sne.s32 s29, $0x1;
	_ =	swait.ge [sflag:s5], $0x1B000  }
.Ltmp0:
0x61: {  	[sflag:s5] =	ssyncset.done $0x0;
	(pc) =	sbr.rel @!p0 .LBB2_2-.Ltmp0, $4  }
0x62: {  	[sflag:s5] =	ssyncadd.s32 $0xFFFE5000  }
0x63: {  	[hbm4b:s2+s15] =	stream.indirect.scatter [tilespmem:s12], [sflag:$0x2], $0x20, s7, s15, $0xb8;
	[tilespmem:$0x1CE00] =	vst v63  }
0x64: {  	_ =	swait.ge [sflag:s14], $0x1000  }
0x65: {  	s29 =	sadd.s32 $0xFFFFFFFF, s29;
	[sflag:s14] =	ssyncset.done $0x0  }
.LBB2_1:
0x66: {  	p0 =	sne.s32 s29, $0x1;
	s29 =	sadd.s32 $0xFFFFFFFF, s29;
	[sflag:s14] =	ssyncadd.s32 $0xFFFFF000  }
0x67: {  	[tilespmem:s3], [sflag:$0x3] =	stream.linear.gather [hbm4b:s4+s3], $0xD80, $0x38;
	[tilespmem:$0x1CE00] =	vst v63  }
0x68: {  	_ =	swait.ge [sflag:s5], $0xD80  }
0x69: {  	[sflag:s5] =	ssyncset.done $0x0  }
0x6a: {  	[sflag:s5] =	ssyncadd.s32 $0xFFFFF280  }
0x6b: {  	[tilespmem:s7], [sflag:$0x3] =	stream.linear.gather [hbm4b:s6+s3], $0x80, $0x38;
	[tilespmem:$0x1CE00] =	vst v63  }
0x6c: {  	_ =	swait.ge [sflag:s5], $0x80  }
0x6d: {  	[sflag:s5] =	ssyncset.done $0x0  }
0x6e: {  	[sflag:s5] =	ssyncadd.s32 $0xFFFFFF80  }
0x6f: {  	[tilespmem:s9], [sflag:$0x1] =	stream.indirect.gather [hbm4b:s8+s9], $0x20, s3, s9, $0xb8;
	[tilespmem:$0x1CE00] =	vst v63  }
0x70: {  	_ =	swait.ge [sflag:s10], $0x1B000  }
0x71: {  	[sflag:s10] =	ssyncset.done $0x0  }
0x72: {  	[sflag:s10] =	ssyncadd.s32 $0xFFFE5000  }
0x73: {  	[tilespmem:s12], [sflag:$0x3] =	stream.linear.gather [hbm4b:s11+s3], $0x1000, $0x38;
	[tilespmem:$0x1CE00] =	vst v63  }
0x74: {  	_ =	swait.ge [sflag:s5], $0x1000  }
0x75: {  	[sflag:s5] =	ssyncset.done $0x0  }
0x76: {  	[sflag:s5] =	ssyncadd.s32 $0xFFFFF000  }
0x77: {  	[hbm4b:s13+s3] =	stream.linear.scatter [tilespmem:s9], [sflag:$0x3], $0x1B000, $0x38;
	[tilespmem:$0x1CE00] =	vst v63  }
0x78: {  	_ =	swait.ge [sflag:s5], $0x1B000  }
0x79: {  	[sflag:s5] =	ssyncset.done $0x0  }
0x7a: {  	[sflag:s5] =	ssyncadd.s32 $0xFFFE5000  }
0x7b: {  	[hbm4b:s2+s15] =	stream.indirect.scatter [tilespmem:s12], [sflag:$0x2], $0x20, s7, s15, $0xb8;
	[tilespmem:$0x1CE00] =	vst v63  }
0x7c: {  	_ =	swait.ge [sflag:s14], $0x1000  }
0x7d: {  	[sflag:s14] =	ssyncset.done $0x0  }
0x7e: {  	[sflag:s14] =	ssyncadd.s32 $0xFFFFF000  }
0x7f: {  	[tilespmem:s3], [sflag:$0x3] =	stream.linear.gather [hbm4b:s16+s3], $0xD80, $0x38;
	[tilespmem:$0x1CE00] =	vst v63  }
0x80: {  	_ =	swait.ge [sflag:s5], $0xD80  }
0x81: {  	[sflag:s5] =	ssyncset.done $0x0  }
0x82: {  	[sflag:s5] =	ssyncadd.s32 $0xFFFFF280  }
0x83: {  	[tilespmem:s7], [sflag:$0x3] =	stream.linear.gather [hbm4b:s17+s3], $0x80, $0x38;
	[tilespmem:$0x1CE00] =	vst v63  }
0x84: {  	_ =	swait.ge [sflag:s5], $0x80  }
0x85: {  	[sflag:s5] =	ssyncset.done $0x0  }
0x86: {  	[sflag:s5] =	ssyncadd.s32 $0xFFFFFF80  }
0x87: {  	[tilespmem:s9], [sflag:$0x1] =	stream.indirect.gather [hbm4b:s8+s9], $0x20, s3, s9, $0xb8;
	[tilespmem:$0x1CE00] =	vst v63  }
0x88: {  	_ =	swait.ge [sflag:s10], $0x1B000  }
0x89: {  	[sflag:s10] =	ssyncset.done $0x0  }
0x8a: {  	[sflag:s10] =	ssyncadd.s32 $0xFFFE5000  }
0x8b: {  	[tilespmem:s12], [sflag:$0x3] =	stream.linear.gather [hbm4b:s18+s3], $0x1000, $0x38;
	[tilespmem:$0x1CE00] =	vst v63  }
0x8c: {  	_ =	swait.ge [sflag:s5], $0x1000  }
0x8d: {  	[sflag:s5] =	ssyncset.done $0x0  }
0x8e: {  	[sflag:s5] =	ssyncadd.s32 $0xFFFFF000  }
0x8f: {  	[hbm4b:s19+s3] =	stream.linear.scatter [tilespmem:s9], [sflag:$0x3], $0x1B000, $0x38;
	[tilespmem:$0x1CE00] =	vst v63  }
0x90: {  	_ =	swait.ge [sflag:s5], $0x1B000  }
0x91: {  	[sflag:s5] =	ssyncset.done $0x0  }
0x92: {  	[sflag:s5] =	ssyncadd.s32 $0xFFFE5000  }
0x93: {  	[hbm4b:s2+s15] =	stream.indirect.scatter [tilespmem:s12], [sflag:$0x2], $0x20, s7, s15, $0xb8;
	[tilespmem:$0x1CE00] =	vst v63  }
0x94: {  	_ =	swait.ge [sflag:s14], $0x1000  }
0x95: {  	[sflag:s14] =	ssyncset.done $0x0  }
0x96: {  	[sflag:s14] =	ssyncadd.s32 $0xFFFFF000  }
0x97: {  	[tilespmem:s3], [sflag:$0x3] =	stream.linear.gather [hbm4b:s20+s3], $0xD80, $0x38;
	[tilespmem:$0x1CE00] =	vst v63  }
0x98: {  	_ =	swait.ge [sflag:s5], $0xD80  }
0x99: {  	[sflag:s5] =	ssyncset.done $0x0  }
0x9a: {  	[sflag:s5] =	ssyncadd.s32 $0xFFFFF280  }
0x9b: {  	[tilespmem:s7], [sflag:$0x3] =	stream.linear.gather [hbm4b:s21+s3], $0x80, $0x38;
	[tilespmem:$0x1CE00] =	vst v63  }
0x9c: {  	_ =	swait.ge [sflag:s5], $0x80  }
0x9d: {  	[sflag:s5] =	ssyncset.done $0x0  }
0x9e: {  	[sflag:s5] =	ssyncadd.s32 $0xFFFFFF80  }
0x9f: {  	[tilespmem:s9], [sflag:$0x1] =	stream.indirect.gather [hbm4b:s8+s9], $0x20, s3, s9, $0xb8;
	[tilespmem:$0x1CE00] =	vst v63  }
0xa0: {  	_ =	swait.ge [sflag:s10], $0x1B000  }
0xa1: {  	[sflag:s10] =	ssyncset.done $0x0  }
0xa2: {  	[sflag:s10] =	ssyncadd.s32 $0xFFFE5000  }
0xa3: {  	[tilespmem:s12], [sflag:$0x3] =	stream.linear.gather [hbm4b:s22+s3], $0x1000, $0x38;
	[tilespmem:$0x1CE00] =	vst v63  }
0xa4: {  	_ =	swait.ge [sflag:s5], $0x1000  }
0xa5: {  	[sflag:s5] =	ssyncset.done $0x0  }
0xa6: {  	[sflag:s5] =	ssyncadd.s32 $0xFFFFF000  }
0xa7: {  	[hbm4b:s23+s3] =	stream.linear.scatter [tilespmem:s9], [sflag:$0x3], $0x1B000, $0x38;
	[tilespmem:$0x1CE00] =	vst v63  }
0xa8: {  	_ =	swait.ge [sflag:s5], $0x1B000  }
0xa9: {  	[sflag:s5] =	ssyncset.done $0x0  }
0xaa: {  	[sflag:s5] =	ssyncadd.s32 $0xFFFE5000  }
0xab: {  	[hbm4b:s2+s15] =	stream.indirect.scatter [tilespmem:s12], [sflag:$0x2], $0x20, s7, s15, $0xb8;
	[tilespmem:$0x1CE00] =	vst v63  }
0xac: {  	_ =	swait.ge [sflag:s14], $0x1000  }
0xad: {  	[sflag:s14] =	ssyncset.done $0x0  }
0xae: {  	[sflag:s14] =	ssyncadd.s32 $0xFFFFF000  }
0xaf: {  	[tilespmem:s3], [sflag:$0x3] =	stream.linear.gather [hbm4b:s24+s3], $0xD80, $0x38;
	[tilespmem:$0x1CE00] =	vst v63  }
0xb0: {  	_ =	swait.ge [sflag:s5], $0xD80  }
0xb1: {  	[sflag:s5] =	ssyncset.done $0x0  }
0xb2: {  	[sflag:s5] =	ssyncadd.s32 $0xFFFFF280  }
0xb3: {  	[tilespmem:s7], [sflag:$0x3] =	stream.linear.gather [hbm4b:s25+s3], $0x80, $0x38;
	[tilespmem:$0x1CE00] =	vst v63  }
0xb4: {  	_ =	swait.ge [sflag:s5], $0x80  }
0xb5: {  	[sflag:s5] =	ssyncset.done $0x0  }
0xb6: {  	[sflag:s5] =	ssyncadd.s32 $0xFFFFFF80  }
0xb7: {  	[tilespmem:s9], [sflag:$0x1] =	stream.indirect.gather [hbm4b:s8+s9], $0x20, s3, s9, $0xb8;
	[tilespmem:$0x1CE00] =	vst v63  }
0xb8: {  	_ =	swait.ge [sflag:s10], $0x1B000  }
0xb9: {  	[sflag:s10] =	ssyncset.done $0x0  }
0xba: {  	[sflag:s10] =	ssyncadd.s32 $0xFFFE5000  }
0xbb: {  	[tilespmem:s12], [sflag:$0x3] =	stream.linear.gather [hbm4b:s26+s3], $0x1000, $0x38;
	[tilespmem:$0x1CE00] =	vst v63  }
0xbc: {  	_ =	swait.ge [sflag:s5], $0x1000  }
0xbd: {  	[sflag:s5] =	ssyncset.done $0x0  }
0xbe: {  	[sflag:s5] =	ssyncadd.s32 $0xFFFFF000  }
0xbf: {  	[hbm4b:s28+s3] =	stream.linear.scatter [tilespmem:s9], [sflag:$0x3], $0x1B000, $0x38;
	[tilespmem:$0x1CE00] =	vst v63  }
0xc0: {  	_ =	swait.ge [sflag:s5], $0x1B000  }
.Ltmp1:
0xc1: {  	[sflag:s5] =	ssyncset.done $0x0;
	(pc) =	sbr.rel @p0 .LBB2_1-.Ltmp1, $4  }
0xc2: {  	[sflag:s5] =	ssyncadd.s32 $0xFFFE5000  }
0xc3: {  	[hbm4b:s2+s15] =	stream.indirect.scatter [tilespmem:s12], [sflag:$0x2], $0x20, s7, s15, $0xb8;
	[tilespmem:$0x1CE00] =	vst v63  }
0xc4: {  	_ =	swait.ge [sflag:s14], $0x1000  }
0xc5: {  	[sflag:s14] =	ssyncset.done $0x0  }
.LBB2_2:
0xc6: {  	[sflag:s14] =	ssyncadd.s32 $0xFFFFF000  }
0xc7: {  	_ =	sfence.sel $0x180000  }
0xc8: {  	[bflag:$0x0] =	sbarrier.arrive $0xFFFF  }
0xc9: {  	p0 =	sne.s32 s0, $0x0;
	_ =	strace $0x90000047  }
0xca: {  	s0 =	sadd.s32 @!p0 $0x100000, s1;
	[bflag:$0x2] =	sbarrier.arrive $0xFFFF  }
0xcb: {  	[sflag:s0] =	ssyncadd.tile.s32 @!p0 $0x1;
	_ =	shalt  }
.Lfunc_end2:
_tile_overlayer_lowered:
.L_overlay_start_2:
0xcc: {  	(tag) =	ssettag $0x2  }
0xcd: {  	s0 =	rddreg [dreg:$0x0];
	s2 =	stileid.u32  }
0xce: {  	s1 =	rddreg [dreg:$0x1];
	p0 =	sne.s32 s2, $0x0  }
0xcf: {  	s3 =	rddreg [dreg:$0x2];
	[bflag:$0x3] =	sbarrier.arrive $0xFFFF;
	s2 =	simm.s32 @!p0 $0x1C03  }
0xd0: {  	[timem:s3], [sflag:s2] =	dma.local @!p0 [hbm:s0], s1  }
0xd1: {  	s0 =	simm.s32 @!p0 $0x3  }
0xd2: {  	_ =	swait.ge @!p0 [sflag:s0], s1  }
0xd3: {  	s1 =	ssub.s32 @!p0 $0x0, s1;
	[sflag:s0] =	ssyncset.done @!p0 $0x0  }
0xd4: {  	[sflag:s0] =	ssyncadd.s32 @!p0 s1  }
0xd5: {  	[bflag:$0x3] =	sbarrier.arrive $0xFFFF  }
0xd6: {  	_ =	shalt  }

// kernel: sparse-core-data-format-call.cloned.1.call-start
scs
called_computation_lowered:
.L_overlay_start_0:
0x0: {  	s2 =	sld [smem:$0x3FD9]  }
0x1: {  	s3 =	sld [smem:$0x3FFE];
	_ =	sdelay $0x1  }
0x2: {  	s1 =	srdreg.scid  }
0x3: {  	s0 =	sand.u32 $0x1, s1  }
0x4: {  	s18 =	sshll.u32 s0, $0xA;
	s2 =	sadd.s32 s3, s2  }
0x5: {  	s2 =	sadd.s32 s2, s18  }
0x6: {  	[smem:$0x3FC4] =	sst s2  }
0x7: {  	_ = 	snop  }
0x8: {  	s2 =	sld [smem:$0x3FD0];
	(tm) =	ssettm $0x1  }
0x9: {  	s19 =	sld [smem:$0x3FFB];
	_ =	sdelay $0x3  }
0xa: {  	_ =	strace s19  }
0xb: {  	s3 =	sld [smem:$0x3FFC];
	_ =	sdelay $0x3  }
0xc: {  	_ =	strace s3  }
0xd: {  	s3 =	sld [smem:$0x3FFD];
	_ =	sdelay $0x3  }
0xe: {  	_ =	strace s3  }
0xf: {  	_ =	strace $0x8FFFFFFF  }
0x10: {  	s20 =	sld [smem:$0x3FDB];
	_ =	sdelay $0x1  }
0x11: {  	s4 =	simm.s32 $_scs_section_size  }
0x12: {  	s5 =	simm.s32 $_size__tile_overlayer_lowered;
	s6 =	simm.s32 $_tile_overlayer_lowered  }
0x13: {  	s23 =	simm.s32 $0x1BFF;
	s22 =	sshll.u32 s6, $0x1;
	s3 =	sadd.s32 s4, s20  }
0x14: {  	s7 =	simm.s32 $0x0;
	s21 =	sshll.u32 s5, $0x1;
	s5 =	sadd.s32 s22, s3  }
0x15: {  	[timem:s7], [sflag:s23] =	dma.local [hbm:s5], s21  }
0x16: {  	_ =	swait.ge [sflag:s23], s21  }
0x17: {  	s4 =	ssub.s32 $0x0, s21;
	[sflag:s23] =	ssyncset.done $0x0  }
0x18: {  	[sflag:s23] =	ssyncadd.s32 s4;
	_ =	sdelay $0x1  }
0x19: {  	s24 =	simm.s32 $0x1B8B  }
0x1a: {  	_ =	swait.ge [sflag:s24], $0x1  }
0x1b: {  	[sflag:s24] =	ssyncset.done $0x0  }
0x1c: {  	s26 =	simm.s32 $0x1B8E;
	s25 =	sld [smem:$0x3FFE];
	[sflag:s24] =	ssyncadd.s32 $0xFFFFFFFF  }
0x1d: {  	s27 =	simm.s32 $execute0_lowered;
	[smem:$0x3FD2] =	sst s26  }
0x1e: {  	s5 =	sshll.u32 s27, $0x1;
	_ =	strace $0x80000049;
	[dreg:$0x1] =	wrdreg $0xFFFFFFFF  }
0x1f: {  	s28 =	simm.s32 $_size_execute0_lowered;
	s3 =	sadd.s32 s3, s5;
	[dreg:$0x0] =	wrdreg $0x0  }
0x20: {  	s5 =	sshll.u32 s28, $0x1;
	[dreg:$0x2] =	wrdreg s3  }
0x21: {  	[dreg:$0x3] =	wrdreg s5  }
0x22: {  	[dreg:$0x4] =	wrdreg $0xC0  }
0x23: {  	_ =	task [dreg:s7], $0x5FFFF  }
0x24: {  	[dreg:$0x1] =	wrdreg $0xFFFFFFFF  }
0x25: {  	[dreg:$0x0] =	wrdreg $0x60  }
0x26: {  	[dreg:$0x2] =	wrdreg s25  }
0x27: {  	[dreg:$0x3] =	wrdreg s2  }
0x28: {  	[dreg:$0x4] =	wrdreg $0x9  }
0x29: {  	_ =	task.clear_ibuf [dreg:s7], $0x5FFFF;
	_ =	strace $0x90000049  }
0x2a: {  	s29 =	simm.s32 $0x9;
	_ =	strace $0x8000004B  }
0x2b: {  	_ =	swait.ge [sflag:s29], $0x1  }
0x2c: {  	[sflag:s29] =	ssyncadd.s32 $0xFFFFFFFF  }
0x2d: {  	_ =	strace $0x9000004B  }
0x2e: {  	_ =	sfence  }
0x2f: {  	s30 =	sld [smem:$0x0];
	_ =	sdelay $0x2  }
0x30: {  	s31 =	sshll.u32 s1, $0xD;
	s1 =	sshrl.u32 s1, $0x2  }
0x31: {  	s3 =	sand.u32 $0x4000, s31;
	s1 =	sadd.s32 s1, s30  }
0x32: {  	s0 =	sor.u32 s3, s0;
	s1 =	sshll.u32 s1, $0x11  }
0x33: {  	s0 =	sor.u32 s1, s0  }
0x34: {  	s0 =	sadd.s32 $0x8F2B, s0  }
0x35: {  	[sflag:s0] =	ssyncadd.remote.s32 $0x1  }
0x36: {  	_ =	sfence.sel $0xFFFF  }
0x37: {  	[dreg:$0x0] =	wrdreg $0xFFFFFFFF;
	(pc) =	sbr.abs _section_cstart, $3  }
0x38: {  	[dreg:$0x1] =	wrdreg $0xFFFFFFFF  }
0x39: {  	_ =	task.clear_ibuf [dreg:s7], $0x2FFFF;
	_ =	strace $0x9FFFFFFF  }
0x3a: {  	(tm) =	ssettm $0x7FFFFFFF  }
0x3b: {  	_ =	shalt  }
tec
execute0_lowered:
.L_overlay_start_1:
0x0: {  	(tag) =	ssettag $0x1  }
0x1: {  	s0 =	srdreg.scid  }
0x2: {  	s1 =	sshll.u32 s0, $0x4  }
0x3: {  	s0 =	stileid.u32;
	s1 =	sand.u32 $0x10, s1  }
0x4: {  	s1 =	sor.u32 s0, s1  }
0x5: {  	s6 =	rddreg [dreg:$0x0];
	s4 =	simm.s32 $0x1;
	s2 =	sshll.u32 s1, $0x7  }
0x6: {  	s7 =	simm.s32 $0x2;
	s12 =	simm.s32 $0x0;
	s1 =	ssub.s32 $0x4000, s2  }
0x7: {  	s8 =	simm.s32 $0x20000;
	s13 =	simm.s32 $0x0;
	s3 =	sand.u32 $0xF80, s1  }
0x8: {  	s9 =	simm.s32 $0x0;
	s5 =	sshrl.u32 s1, $0xC;
	p0 =	sne.s32 s3, $0x0  }
.Ltmp0:
0x9: {  	s1 =	rddreg [dreg:$0x2];
	s4 =	simm.s32 @!p0 $0x0;
	(pc) =	sbr.rel .LBB1_1-.Ltmp0, $4  }
0xa: {  	s11 =	simm.s32 $0x0;
	s3 =	rddreg [dreg:$0x1];
	s5 =	sadd.s32 s4, s5  }
0xb: {  	_ =	strace $0x8000004A;
	s4 =	simm.s32 $0x1;
	s5 =	smul.u32 $0x1B, s5  }
0xc: {  	s6 =	sadd.s32 $0xC00, s6;
	s10 =	smov.u32 s2;
	[sflag:s4] =	ssyncpa.u1 $0x0  }
0xd: {  	p0 =	por $0x0, $0x0;
	[sflag:s7] =	ssyncpa.u1 $0x0;
	s7 =	sadd.s32 $0x1, s5  }
.LBB1_4:
0xe: {  	s16 =	sshll.u32 s13, $0x3;
	s17 =	sand.u32 $0x78, s13  }
0xf: {  	s30 =	sand.u32 $0xF800, s13;
	s12 =	sshll.u32 s12, $0x10;
	s16 =	sand.u32 $0x3C00, s16  }
0x10: {  	s31 =	sand.u32 $0x7, s13;
	s16 =	sor.u32 s17, s16;
	s17 =	sadd.s32 s3, s30  }
0x11: {  	s13 =	sshll.u32 s31, $0x12;
	s16 =	sshrl.u32 s16, $0x3;
	s12 =	sadd.s32 s12, s17  }
0x12: {  	[tilespmem:s15+$0x0 ss:$0x81] =	vst.msk $0xffff, v0;
	s13 =	sor.u32 $0x400, s13;
	s12 =	sadd.s32 s16, s12  }
0x13: {  	[hbm4b:s12+s13] =	stream.strided.scatter [tilespmem:s14], [sflag:$0x2], $0x1000, s8, s13, $0x20;
	[tilespmem:$0x4040] =	vst v63  }
.LBB1_5:
0x14: {  	s14 =	sadd.s32 $0x1, s9  }
0x15: {  	s12 =	sadd.s32 $0x1000, s10;
	s16 =	smov.u32 s10;
	p2 =	sgt.s32 s14, $0x1A  }
0x16: {  	s16 =	smov.u32 @p2 s12  }
0x17: {  	s14 =	simm.s32 @p2 $0x0;
	p2 =	sgt.s32 s16, $0x3FFF  }
0x18: {  	s16 =	smov.u32 @p2 s2;
	p2 =	sne.s32 s11, s7  }
.Ltmp1:
0x19: {  	p1 =	slt.u32 s11, $0x2;
	(pc) =	sbr.rel @!p2 .LBB1_6-.Ltmp1, $4  }
0x1a: {  	s15 =	simm.s32 @!p1 $0x2  }
0x1b: {  	s13 =	smov.u32 s10;
	p0 =	por !p0, !p0;
	_ =	swait.ge @!p1 [sflag:s15], $0x1000  }
0x1c: {  	s12 =	smov.u32 s9;
	[sflag:s15] =	ssyncset.done @!p1 $0x0;
	s9 =	smov.u32 s14  }
0x1d: {  	s11 =	sadd.s32 $0x1, s11;
	[sflag:s15] =	ssyncadd.s32 @!p1 $0xFFFFF000;
	s10 =	smov.u32 s16  }
.LBB1_1:
0x1e: {  	p1 =	sge.u32 s11, s5  }
0x1f: {  	s31 =	sadd.s32 $0xFFFFFFFF, s11;
	s14 =	sxor.u32 @!p1 $0xFFFFFFFF, s11  }
0x20: {  	s15 =	sshll.u32 @!p1 s10, $0x9;
	s16 =	sshll.u32 @!p1 s9, $0x4;
	s17 =	simm.s32 @!p1 $0x1000  }
0x21: {  	s14 =	sshll.u32 @!p1 s14, $0xC;
	s16 =	sand.u32 @!p1 $0x1F0, s16;
	s15 =	sadd.s32 @!p1 s6, s15  }
0x22: {  	s14 =	sand.u32 @!p1 $0x1000, s14;
	s15 =	sadd.s32 @!p1 s16, s15;
	s16 =	simm.s32 @!p1 $0x20  }
0x23: {  	[tilespmem:s14], [sflag:$0x1] =	stream.strided.gather @!p1 [hbm4b:s15+s16], $0x1000, s17, s16, $0x38;
	[tilespmem:$0x4040] =	vst v63  }
0x24: {  	p1 =	sge.u32 s31, s5  }
.Ltmp2:
0x25: {  	_ = 	snop;
	(pc) =	sbr.rel @p1 .LBB1_5-.Ltmp2, $1  }
0x26: {  	_ =	sdelay $0x3  }
0x27: {  	s14 =	simm.s32 $0x1  }
0x28: {  	_ =	swait.ge [sflag:s4], $0x1000;
	s14 =	simm.s32 @!p0 $0x0  }
0x29: {  	[sflag:s4] =	ssyncset.done $0x0;
	s15 =	sshll.u32 s14, $0xC  }
0x2a: {  	[sflag:s4] =	ssyncadd.s32 $0xFFFFF000;
	s18 =	sor.u32 $0x10, s15  }
0x2b: {  	s14 =	smul.u32 $0x4080, s14;
	v1 =	vld [tilespmem:s18+$0x0]  }
0x2c: {  	s30 =	sand.u32 $0x1, s11;
	v0 =	vld [tilespmem:s18+$0xFFFFFFF0]  }
0x2d: {  	s15 =	smul.u32 $0x4080, s30;
	s14 =	sshrl.u32 s14, $0x2  }
0x2e: {  	s16 =	sor.u32 $0x2000, s14  }
0x2f: {  	s31 =	sshrl.u32 s15, $0x2;
	s15 =	sadd.s32 $0x0, s16  }
0x30: {  	s17 =	simm.s32 $0x4;
	s18 =	sadd.s32 $0x20, s18;
	s14 =	sor.u32 $0x2000, s31;
	[tilespmem:s15+$0x810 ss:$0x81] =	vst.msk $0xffff, v1  }
.LBB1_3:
0x31: {  	v1 =	vld [tilespmem:s18+$0x0];
	p1 =	sne.s32 s17, $0x1FC;
	[tilespmem:s15+$0x0 ss:$0x81] =	vst.msk $0xffff, v0;
	s15 =	smov.u32 s17;
	s17 =	sadd.s32 $0x4, s17  }
.Ltmp3:
0x32: {  	v0 =	vld [tilespmem:s18+$0xFFFFFFF0];
	(pc) =	sbr.rel @p1 .LBB1_3-.Ltmp3, $4  }
0x33: {  	_ = 	snop  }
0x34: {  	s15 =	sshra.s32 s15, $0x2  }
0x35: {  	s15 =	sadd.s32 s15, s16  }
0x36: {  	s18 =	sadd.s32 $0x20, s18;
	[tilespmem:s15+$0x810 ss:$0x81] =	vst.msk $0xffff, v1  }
.Ltmp4:
0x37: {  	_ = 	snop;
	(pc) =	sbr.rel .LBB1_4-.Ltmp4, $1  }
0x38: {  	_ =	sdelay $0x3  }
.LBB1_6:
0x39: {  	_ =	sfence.sel $0x180000  }
0x3a: {  	s2 =	simm.s32 $0x1;
	[bflag:$0x0] =	sbarrier.arrive $0xFFFF  }
0x3b: {  	s31 =	simm.s32 $0x2;
	[sflag:s2] =	ssyncpa.u1 $0x1  }
0x3c: {  	[sflag:s31] =	ssyncpa.u1 $0x1  }
0x3d: {  	p0 =	sne.s32 s0, $0x0;
	_ =	strace $0x9000004A  }
0x3e: {  	s0 =	sadd.s32 @!p0 $0x100000, s1;
	[bflag:$0x2] =	sbarrier.arrive $0xFFFF  }
0x3f: {  	[sflag:s0] =	ssyncadd.tile.s32 @!p0 $0x1;
	_ =	shalt  }
.Lfunc_end1:
_tile_overlayer_lowered:
.L_overlay_start_2:
0x40: {  	(tag) =	ssettag $0x2  }
0x41: {  	s0 =	rddreg [dreg:$0x0];
	s2 =	stileid.u32  }
0x42: {  	s1 =	rddreg [dreg:$0x1];
	p0 =	sne.s32 s2, $0x0  }
0x43: {  	s3 =	rddreg [dreg:$0x2];
	[bflag:$0x3] =	sbarrier.arrive $0xFFFF;
	s2 =	simm.s32 @!p0 $0x1C01  }
0x44: {  	[timem:s3], [sflag:s2] =	dma.local @!p0 [hbm:s0], s1  }
0x45: {  	s0 =	simm.s32 @!p0 $0x1  }
0x46: {  	_ =	swait.ge @!p0 [sflag:s0], s1  }
0x47: {  	s1 =	ssub.s32 @!p0 $0x0, s1;
	[sflag:s0] =	ssyncset.done @!p0 $0x0  }
0x48: {  	[sflag:s0] =	ssyncadd.s32 @!p0 s1  }
0x49: {  	[bflag:$0x3] =	sbarrier.arrive $0xFFFF  }
0x4a: {  	_ =	shalt  }

</sc_bundles>
